<compile_context>
chip_gen: v7x
topology: tpu7x:2x2x1
jax: 0.10.2.dev20260603
libtpu: 0.0.44.dev20260713+nightly
codegen_flags: <defaults>
</compile_context>

<pallas_src>
import functools

import jax
import jax.numpy as jnp
from jax import lax
from jax.experimental import pallas as pl
from jax.experimental.pallas import tpu as pltpu
from jax.experimental.pallas import tpu_sc as plsc

NUM_VOCAB = 1000000
EMBED = 64
HIDDEN = 128
NUM_CLASSES = 2
BATCH = 4096
SEQ = 200

NUM_CORES = 2
NUM_SUBCORES = 16
NUM_WORKERS = NUM_CORES * NUM_SUBCORES
BPW = BATCH // NUM_WORKERS
SG = 2
NGROUPS = SEQ // SG
LANES = 16
NCH = EMBED // LANES
PAIR = 2 * EMBED


def _sc_pool_kernel(table_hbm, idx_hbm, out_hbm, idx_v, rows_v,
                    acc_v, sem0, sem1):
    wid = lax.axis_index("s") * NUM_CORES + lax.axis_index("c")
    base = wid * BPW
    pltpu.sync_copy(idx_hbm.at[:, pl.ds(base, BPW)], idx_v)

    sems = (sem0, sem1)

    def copies(g, buf):
        return [
            pltpu.make_async_copy(table_hbm.at[idx_v.at[g * SG + kk]],
                                  rows_v.at[buf, kk], sems[buf])
            for kk in range(SG)
        ]

    zero = jnp.zeros((LANES,), jnp.float32)

    @pl.loop(0, BPW)
    def _zero(b):
        for c in range(NCH):
            acc_v[b, pl.ds(c * LANES, LANES)] = zero

    for c in copies(0, 0):
        c.start()

    @pl.loop(0, NGROUPS, step=2)
    def _outer(g2):
        for k in range(2):
            g = g2 + k

            @pl.when(g + 1 < NGROUPS)
            def _():
                for c in copies(g + 1, k ^ 1):
                    c.start()

            for c in copies(g, k):
                c.wait()

            @pl.loop(0, BPW, unroll=2)
            def _acc(b):
                for c in range(NCH):
                    sl = pl.ds(c * LANES, LANES)
                    s = acc_v[b, sl]
                    for kk in range(SG):
                        s = s + rows_v[k, kk, b, sl]
                    acc_v[b, sl] = s

    @pl.loop(0, BPW)
    def _scale(b):
        for c in range(NCH):
            sl = pl.ds(c * LANES, LANES)
            acc_v[b, sl] = acc_v[b, sl] * (1.0 / SEQ)

    pltpu.sync_copy(acc_v, out_hbm.at[pl.ds(base, BPW), :])


@jax.jit
def _sc_pool(table_wide, idx_t):
    mesh = plsc.VectorSubcoreMesh(core_axis_name="c", subcore_axis_name="s")
    f = functools.partial(
        pl.kernel,
        out_type=jax.ShapeDtypeStruct((BATCH, EMBED), jnp.float32),
        mesh=mesh,
        scratch_types=[
            pltpu.VMEM((SEQ, BPW), jnp.int32),
            pltpu.VMEM((2, SG, BPW, PAIR), jnp.float32),
            pltpu.VMEM((BPW, EMBED), jnp.float32),
            pltpu.SemaphoreType.DMA,
            pltpu.SemaphoreType.DMA,
        ],
        compiler_params=pltpu.CompilerParams(use_tc_tiling_on_sc=True),
    )(_sc_pool_kernel)
    return f(table_wide, idx_t)


def _mlp_body(p_ref, w1_ref, b1_ref, g_ref, be_ref, w2_ref, b2_ref, o_ref):
    h = jnp.dot(p_ref[...], w1_ref[...],
                preferred_element_type=jnp.float32) + b1_ref[...]
    mu = jnp.mean(h, axis=0, keepdims=True)
    d = h - mu
    var = jnp.mean(d * d, axis=0, keepdims=True)
    hn = d * lax.rsqrt(var + 1e-5) * g_ref[...] + be_ref[...]
    hn = jnp.maximum(hn, 0.0)
    o_ref[...] = jnp.dot(hn, w2_ref[...],
                         preferred_element_type=jnp.float32) + b2_ref[...]


@jax.jit
def _mlp(pooled, W1, b1, gamma, beta, W2p, b2p):
    return pl.pallas_call(
        _mlp_body,
        out_shape=jax.ShapeDtypeStruct((BATCH, HIDDEN), jnp.float32),
    )(pooled, W1, b1, gamma, beta, W2p, b2p)


def kernel(x, table, W1, b1, gamma, beta, W2, b2):
    idx_t = jnp.swapaxes(x[0], 0, 1)
    table_wide = jnp.pad(table, ((0, 0), (0, PAIR - EMBED)))
    pooled = _sc_pool(table_wide, idx_t)
    W2p = jnp.zeros((HIDDEN, HIDDEN), jnp.float32).at[:, :NUM_CLASSES].set(W2)
    b2p = jnp.zeros((1, HIDDEN), jnp.float32).at[:, :NUM_CLASSES].set(b2)
    out = _mlp(pooled, W1, b1.reshape(1, HIDDEN), gamma.reshape(1, HIDDEN),
               beta.reshape(1, HIDDEN), W2p, b2p)
    return out[:, :NUM_CLASSES]

# --- scband reference (transcript-rebuilt; emitter-appended) ---
"""Pipeline reference for scband-model-85950885528221 (READ-ONLY COPY).

The authoritative reference and input builder live on the scoring server;
editing this copy changes nothing except your own understanding.
"""

import jax, jax.numpy as jnp
import numpy as np

NUM_VOCAB = 1000000
EMBED = 64
HIDDEN = 128
NUM_CLASSES = 2
BATCH = 4096
SEQ = 200


def setup_inputs(seed: int = 0) -> dict:
    key = jax.random.key(seed)
    ks = jax.random.split(key, 8)
    x = jax.random.randint(ks[0], (1, BATCH, SEQ), 0, NUM_VOCAB, dtype=jnp.int32)
    table = jax.random.normal(ks[1], (NUM_VOCAB, EMBED), dtype=jnp.float32)
    # padding_idx = NUM_VOCAB - 1 -> zero row
    table = table.at[NUM_VOCAB - 1].set(0.0)
    lim1 = 1.0 / np.sqrt(EMBED)
    W1 = jax.random.uniform(ks[2], (EMBED, HIDDEN), jnp.float32, -lim1, lim1)
    b1 = jax.random.uniform(ks[3], (HIDDEN,), jnp.float32, -lim1, lim1)
    gamma = jnp.ones((HIDDEN,), jnp.float32)
    beta = jnp.zeros((HIDDEN,), jnp.float32)
    lim2 = 1.0 / np.sqrt(HIDDEN)
    W2 = jax.random.uniform(ks[4], (HIDDEN, NUM_CLASSES), jnp.float32, -lim2, lim2)
    b2 = jax.random.uniform(ks[5], (NUM_CLASSES,), jnp.float32, -lim2, lim2)
    return {"x": x, "table": table, "W1": W1, "b1": b1, "gamma": gamma, "beta": beta, "W2": W2, "b2": b2}


def reference(x, table, W1, b1, gamma, beta, W2, b2):
    content = x[0]                      # [B, L] int
    out = jnp.take(table, content, axis=0)  # [B, L, E] embedding gather
    out = jnp.mean(out, axis=1, keepdims=True)  # [B, 1, E]
    out = jnp.squeeze(out, axis=1)      # [B, E]
    h = out @ W1 + b1                   # Linear(embed, hidden)
    # BatchNorm1d in training mode (module default): batch statistics, biased var
    mu = jnp.mean(h, axis=0)
    var = jnp.var(h, axis=0)
    h = (h - mu) / jnp.sqrt(var + 1e-5) * gamma + beta
    h = jnp.maximum(h, 0.0)             # ReLU
    return h @ W2 + b2                  # Linear(hidden, num_classes)

if __name__ == "__main__":
    import jax
    _d = setup_inputs()
    print(jax.jit(kernel)(*tuple(_d.values())))

</pallas_src>

<mosaic_0001>
#map = affine_map<(d0, d1) -> (0, 0)>
module attributes {stable_mosaic.version = 14 : i64} {
  func.func @_sc_pool_kernel(%arg0: i32, %arg1: i32, %arg2: memref<1000000x128xf32, #tpu.memory_space<hbm>>, %arg3: memref<200x4096xi32, #tpu.memory_space<hbm>>, %arg4: memref<4096x64xf32, #tpu.memory_space<hbm>>, %arg5: memref<200x128xi32, #tpu.memory_space<vmem>>, %arg6: memref<2x2x128x128xf32, #tpu.memory_space<vmem>>, %arg7: memref<128x64xf32, #tpu.memory_space<vmem>>, %arg8: memref<!tpu.dma_semaphore, #tpu.memory_space<semaphore_mem>>, %arg9: memref<!tpu.dma_semaphore, #tpu.memory_space<semaphore_mem>>) attributes {dimension_semantics = [#tpu.dimension_semantics<core_parallel>, #tpu.dimension_semantics<subcore_parallel>], iteration_bounds = array<i64: 2, 16>, scalar_prefetch = 0 : i64, scratch_operands = 5 : i64, tpu.core_type = #tpu.core_type<sc_vector_subcore>, window_params = [{transform_indices = #map}, {transform_indices = #map}, {transform_indices = #map}]} {
    %mul3A = arith.constant 2 : i32
    %mul3A_0 = arith.muli %arg1, %mul3A : i32
    %add3A = arith.addi %mul3A_0, %arg0 : i32
    %mul3A_1 = arith.constant 128 : i32
    %mul3A_2 = arith.muli %add3A, %mul3A_1 : i32
    "tpu.region"() ({
      %run_scoped3A = tpu.sem_alloc : memref<!tpu.dma_semaphore, #tpu.memory_space<semaphore_mem>>
      %dma_start3A_43 = arith.constant 0 : i32
      %dma_start3A_44 = tpu.memref_slice %arg3[%dma_start3A_43, %mul3A_2] : memref<200x4096xi32, #tpu.memory_space<hbm>> -> memref<200x128xi32, #tpu.memory_space<hbm>>
      %dma_start3A_45 = arith.constant 0 : i32
      %dma_start3A_46 = tpu.memref_slice %arg3[%dma_start3A_45, %mul3A_2] : memref<200x4096xi32, #tpu.memory_space<hbm>> -> memref<200x128xi32, #tpu.memory_space<hbm>>
      tpu.enqueue_dma source(%dma_start3A_46 : memref<200x128xi32, #tpu.memory_space<hbm>>) target(%arg5 : memref<200x128xi32, #tpu.memory_space<vmem>>) target_semaphore(%run_scoped3A : memref<!tpu.dma_semaphore, #tpu.memory_space<semaphore_mem>>)
      %dma_wait3A = arith.constant 0 : i32
      %dma_wait3A_47 = tpu.memref_slice %arg3[%dma_wait3A, %mul3A_2] : memref<200x4096xi32, #tpu.memory_space<hbm>> -> memref<200x128xi32, #tpu.memory_space<hbm>>
      %dma_wait3A_48 = arith.constant 0 : i32
      %dma_wait3A_49 = tpu.memref_slice %arg3[%dma_wait3A_48, %mul3A_2] : memref<200x4096xi32, #tpu.memory_space<hbm>> -> memref<200x128xi32, #tpu.memory_space<hbm>>
      tpu.wait_dma2 semaphore(%run_scoped3A : memref<!tpu.dma_semaphore, #tpu.memory_space<semaphore_mem>>) src(%dma_wait3A_49 : memref<200x128xi32, #tpu.memory_space<hbm>>) dst(%arg5 : memref<200x128xi32, #tpu.memory_space<vmem>>)
      tpu.yield
    }) : () -> ()
    %broadcast_in_dim3A = arith.constant 0.000000e+00 : f32
    %broadcast_in_dim3A_3 = vector.broadcast %broadcast_in_dim3A : f32 to vector<16xf32>
    %scan3A = arith.constant 0 : i32
    %scan3A_4 = arith.constant 128 : i32
    %scan3A_5 = arith.addi %scan3A, %scan3A_4 : i32
    %scan3A_6 = arith.constant 1 : i32
    scf.for %scan3A_43 = %scan3A to %scan3A_5 step %scan3A_6  : i32 {
      %mul3A_44 = arith.constant 1 : i32
      %mul3A_45 = arith.muli %scan3A_43, %mul3A_44 : i32
      %add3A_46 = arith.constant 0 : i32
      %add3A_47 = arith.addi %add3A_46, %mul3A_45 : i32
      %swap3A = arith.index_cast %add3A_47 : i32 to index
      %swap3A_48 = arith.constant 0 : index
      %swap3A_49 = tpu.vector_load %arg7[%swap3A, %swap3A_48] {strides = array<i32>} : memref<128x64xf32, #tpu.memory_space<vmem>>, vector<1x16xf32>,
      %swap3A_50 = vector.shape_cast %swap3A_49 : vector<1x16xf32> to vector<16xf32>
      %swap3A_51 = vector.shape_cast %broadcast_in_dim3A_3 : vector<16xf32> to vector<1x16xf32>
      tpu.vector_store %arg7[%swap3A, %swap3A_48], %swap3A_51 {strides = array<i32>} : memref<128x64xf32, #tpu.memory_space<vmem>>, vector<1x16xf32>,
      %swap3A_52 = arith.index_cast %add3A_47 : i32 to index
      %swap3A_53 = arith.constant 16 : index
      %swap3A_54 = tpu.vector_load %arg7[%swap3A_52, %swap3A_53] {strides = array<i32>} : memref<128x64xf32, #tpu.memory_space<vmem>>, vector<1x16xf32>,
      %swap3A_55 = vector.shape_cast %swap3A_54 : vector<1x16xf32> to vector<16xf32>
      %swap3A_56 = vector.shape_cast %broadcast_in_dim3A_3 : vector<16xf32> to vector<1x16xf32>
      tpu.vector_store %arg7[%swap3A_52, %swap3A_53], %swap3A_56 {strides = array<i32>} : memref<128x64xf32, #tpu.memory_space<vmem>>, vector<1x16xf32>,
      %swap3A_57 = arith.index_cast %add3A_47 : i32 to index
      %swap3A_58 = arith.constant 32 : index
      %swap3A_59 = tpu.vector_load %arg7[%swap3A_57, %swap3A_58] {strides = array<i32>} : memref<128x64xf32, #tpu.memory_space<vmem>>, vector<1x16xf32>,
      %swap3A_60 = vector.shape_cast %swap3A_59 : vector<1x16xf32> to vector<16xf32>
      %swap3A_61 = vector.shape_cast %broadcast_in_dim3A_3 : vector<16xf32> to vector<1x16xf32>
      tpu.vector_store %arg7[%swap3A_57, %swap3A_58], %swap3A_61 {strides = array<i32>} : memref<128x64xf32, #tpu.memory_space<vmem>>, vector<1x16xf32>,
      %swap3A_62 = arith.index_cast %add3A_47 : i32 to index
      %swap3A_63 = arith.constant 48 : index
      %swap3A_64 = tpu.vector_load %arg7[%swap3A_62, %swap3A_63] {strides = array<i32>} : memref<128x64xf32, #tpu.memory_space<vmem>>, vector<1x16xf32>,
      %swap3A_65 = vector.shape_cast %swap3A_64 : vector<1x16xf32> to vector<16xf32>
      %swap3A_66 = vector.shape_cast %broadcast_in_dim3A_3 : vector<16xf32> to vector<1x16xf32>
      tpu.vector_store %arg7[%swap3A_62, %swap3A_63], %swap3A_66 {strides = array<i32>} : memref<128x64xf32, #tpu.memory_space<vmem>>, vector<1x16xf32>,
    }
    %scan3A_7 = arith.constant 128 : i32
    %dma_start3A = arith.constant 0 : i32
    %dma_start3A_8 = arith.constant 0 : i32
    %dma_start3A_9 = arith.constant 0 : i32
    %dma_start3A_10 = arith.constant 0 : i32
    %dma_start3A_11 = arith.constant 0 : i32
    %dma_start3A_12 = tpu.memref_slice %arg6[%dma_start3A_8, %dma_start3A_9, %dma_start3A_10, %dma_start3A_11] : memref<2x2x128x128xf32, #tpu.memory_space<vmem>> -> memref<1x1x128x128xf32, #tpu.memory_space<vmem>>
    %dma_start3A_13 = tpu.memref_squeeze %dma_start3A_12 : memref<1x1x128x128xf32, #tpu.memory_space<vmem>> -> memref<128x128xf32, #tpu.memory_space<vmem>>
    %dma_start3A_14 = arith.constant 0 : i32
    %dma_start3A_15 = tpu.memref_slice %arg5[%dma_start3A, %dma_start3A_14] : memref<200x128xi32, #tpu.memory_space<vmem>> -> memref<1x128xi32, #tpu.memory_space<vmem>>
    %dma_start3A_16 = tpu.memref_squeeze %dma_start3A_15 : memref<1x128xi32, #tpu.memory_space<vmem>> -> memref<128xi32, #tpu.memory_space<vmem>>
    %dma_start3A_17 = arith.constant 0 : i32
    %dma_start3A_18 = arith.constant 0 : i32
    %dma_start3A_19 = tpu.memref_slice %arg2[%dma_start3A_17, %dma_start3A_18] : memref<1000000x128xf32, #tpu.memory_space<hbm>> -> memref<1000000x128xf32, #tpu.memory_space<hbm>>
    tpu.enqueue_indirect_dma source(%dma_start3A_19 : memref<1000000x128xf32, #tpu.memory_space<hbm>>) target(%dma_start3A_13 : memref<128x128xf32, #tpu.memory_space<vmem>>) offsets(%dma_start3A_16 : memref<128xi32, #tpu.memory_space<vmem>>) semaphore(%arg8 : memref<!tpu.dma_semaphore, #tpu.memory_space<semaphore_mem>>)
    %dma_start3A_20 = arith.constant 1 : i32
    %dma_start3A_21 = arith.constant 0 : i32
    %dma_start3A_22 = arith.constant 1 : i32
    %dma_start3A_23 = arith.constant 0 : i32
    %dma_start3A_24 = arith.constant 0 : i32
    %dma_start3A_25 = tpu.memref_slice %arg6[%dma_start3A_21, %dma_start3A_22, %dma_start3A_23, %dma_start3A_24] : memref<2x2x128x128xf32, #tpu.memory_space<vmem>> -> memref<1x1x128x128xf32, #tpu.memory_space<vmem>>
    %dma_start3A_26 = tpu.memref_squeeze %dma_start3A_25 : memref<1x1x128x128xf32, #tpu.memory_space<vmem>> -> memref<128x128xf32, #tpu.memory_space<vmem>>
    %dma_start3A_27 = arith.constant 0 : i32
    %dma_start3A_28 = tpu.memref_slice %arg5[%dma_start3A_20, %dma_start3A_27] : memref<200x128xi32, #tpu.memory_space<vmem>> -> memref<1x128xi32, #tpu.memory_space<vmem>>
    %dma_start3A_29 = tpu.memref_squeeze %dma_start3A_28 : memref<1x128xi32, #tpu.memory_space<vmem>> -> memref<128xi32, #tpu.memory_space<vmem>>
    %dma_start3A_30 = arith.constant 0 : i32
    %dma_start3A_31 = arith.constant 0 : i32
    %dma_start3A_32 = tpu.memref_slice %arg2[%dma_start3A_30, %dma_start3A_31] : memref<1000000x128xf32, #tpu.memory_space<hbm>> -> memref<1000000x128xf32, #tpu.memory_space<hbm>>
    tpu.enqueue_indirect_dma source(%dma_start3A_32 : memref<1000000x128xf32, #tpu.memory_space<hbm>>) target(%dma_start3A_26 : memref<128x128xf32, #tpu.memory_space<vmem>>) offsets(%dma_start3A_29 : memref<128xi32, #tpu.memory_space<vmem>>) semaphore(%arg8 : memref<!tpu.dma_semaphore, #tpu.memory_space<semaphore_mem>>)
    %scan3A_33 = arith.constant 0 : i32
    %scan3A_34 = arith.constant 50 : i32
    %scan3A_35 = arith.addi %scan3A_33, %scan3A_34 : i32
    %scan3A_36 = arith.constant 1 : i32
    scf.for %scan3A_43 = %scan3A_33 to %scan3A_35 step %scan3A_36  : i32 {
      %mul3A_44 = arith.constant 2 : i32
      %mul3A_45 = arith.muli %scan3A_43, %mul3A_44 : i32
      %add3A_46 = arith.constant 0 : i32
      %add3A_47 = arith.addi %add3A_46, %mul3A_45 : i32
      %add3A_48 = arith.constant 0 : i32
      %add3A_49 = arith.addi %add3A_47, %add3A_48 : i32
      %add3A_50 = arith.constant 1 : i32
      %add3A_51 = arith.addi %add3A_49, %add3A_50 : i32
      %lt3A = arith.constant 100 : i32
      %lt3A_52 = arith.cmpi slt, %add3A_51, %lt3A : i32
      %convert_element_type3A = arith.extui %lt3A_52 : i1 to i32
      %cond3A = arith.constant 0 : i32
      %cond3A_53 = arith.cmpi ne, %convert_element_type3A, %cond3A : i32
      scf.if %cond3A_53 {
        %add3A_136 = arith.constant 1 : i32
        %add3A_137 = arith.addi %add3A_49, %add3A_136 : i32
        %mul3A_138 = arith.constant 2 : i32
        %mul3A_139 = arith.muli %add3A_137, %mul3A_138 : i32
        %add3A_140 = arith.constant 0 : i32
        %add3A_141 = arith.addi %mul3A_139, %add3A_140 : i32
        %mul3A_142 = arith.constant 2 : i32
        %mul3A_143 = arith.muli %add3A_137, %mul3A_142 : i32
        %add3A_144 = arith.constant 1 : i32
        %add3A_145 = arith.addi %mul3A_143, %add3A_144 : i32
        %dma_start3A_146 = arith.constant 1 : i32
        %dma_start3A_147 = arith.constant 0 : i32
        %dma_start3A_148 = arith.constant 0 : i32
        %dma_start3A_149 = arith.constant 0 : i32
        %dma_start3A_150 = tpu.memref_slice %arg6[%dma_start3A_146, %dma_start3A_147, %dma_start3A_148, %dma_start3A_149] : memref<2x2x128x128xf32, #tpu.memory_space<vmem>> -> memref<1x1x128x128xf32, #tpu.memory_space<vmem>>
        %dma_start3A_151 = tpu.memref_squeeze %dma_start3A_150 : memref<1x1x128x128xf32, #tpu.memory_space<vmem>> -> memref<128x128xf32, #tpu.memory_space<vmem>>
        %dma_start3A_152 = arith.constant 0 : i32
        %dma_start3A_153 = tpu.memref_slice %arg5[%add3A_141, %dma_start3A_152] : memref<200x128xi32, #tpu.memory_space<vmem>> -> memref<1x128xi32, #tpu.memory_space<vmem>>
        %dma_start3A_154 = tpu.memref_squeeze %dma_start3A_153 : memref<1x128xi32, #tpu.memory_space<vmem>> -> memref<128xi32, #tpu.memory_space<vmem>>
        %dma_start3A_155 = arith.constant 0 : i32
        %dma_start3A_156 = arith.constant 0 : i32
        %dma_start3A_157 = tpu.memref_slice %arg2[%dma_start3A_155, %dma_start3A_156] : memref<1000000x128xf32, #tpu.memory_space<hbm>> -> memref<1000000x128xf32, #tpu.memory_space<hbm>>
        tpu.enqueue_indirect_dma source(%dma_start3A_157 : memref<1000000x128xf32, #tpu.memory_space<hbm>>) target(%dma_start3A_151 : memref<128x128xf32, #tpu.memory_space<vmem>>) offsets(%dma_start3A_154 : memref<128xi32, #tpu.memory_space<vmem>>) semaphore(%arg9 : memref<!tpu.dma_semaphore, #tpu.memory_space<semaphore_mem>>)
        %dma_start3A_158 = arith.constant 1 : i32
        %dma_start3A_159 = arith.constant 1 : i32
        %dma_start3A_160 = arith.constant 0 : i32
        %dma_start3A_161 = arith.constant 0 : i32
        %dma_start3A_162 = tpu.memref_slice %arg6[%dma_start3A_158, %dma_start3A_159, %dma_start3A_160, %dma_start3A_161] : memref<2x2x128x128xf32, #tpu.memory_space<vmem>> -> memref<1x1x128x128xf32, #tpu.memory_space<vmem>>
        %dma_start3A_163 = tpu.memref_squeeze %dma_start3A_162 : memref<1x1x128x128xf32, #tpu.memory_space<vmem>> -> memref<128x128xf32, #tpu.memory_space<vmem>>
        %dma_start3A_164 = arith.constant 0 : i32
        %dma_start3A_165 = tpu.memref_slice %arg5[%add3A_145, %dma_start3A_164] : memref<200x128xi32, #tpu.memory_space<vmem>> -> memref<1x128xi32, #tpu.memory_space<vmem>>
        %dma_start3A_166 = tpu.memref_squeeze %dma_start3A_165 : memref<1x128xi32, #tpu.memory_space<vmem>> -> memref<128xi32, #tpu.memory_space<vmem>>
        %dma_start3A_167 = arith.constant 0 : i32
        %dma_start3A_168 = arith.constant 0 : i32
        %dma_start3A_169 = tpu.memref_slice %arg2[%dma_start3A_167, %dma_start3A_168] : memref<1000000x128xf32, #tpu.memory_space<hbm>> -> memref<1000000x128xf32, #tpu.memory_space<hbm>>
        tpu.enqueue_indirect_dma source(%dma_start3A_169 : memref<1000000x128xf32, #tpu.memory_space<hbm>>) target(%dma_start3A_163 : memref<128x128xf32, #tpu.memory_space<vmem>>) offsets(%dma_start3A_166 : memref<128xi32, #tpu.memory_space<vmem>>) semaphore(%arg9 : memref<!tpu.dma_semaphore, #tpu.memory_space<semaphore_mem>>)
      } else {
      }
      %mul3A_54 = arith.constant 2 : i32
      %mul3A_55 = arith.muli %add3A_49, %mul3A_54 : i32
      %add3A_56 = arith.constant 0 : i32
      %add3A_57 = arith.addi %mul3A_55, %add3A_56 : i32
      %mul3A_58 = arith.constant 2 : i32
      %mul3A_59 = arith.muli %add3A_49, %mul3A_58 : i32
      %add3A_60 = arith.constant 1 : i32
      %add3A_61 = arith.addi %mul3A_59, %add3A_60 : i32
      %dma_wait3A = arith.constant 0 : i32
      %dma_wait3A_62 = arith.constant 0 : i32
      %dma_wait3A_63 = arith.constant 0 : i32
      %dma_wait3A_64 = arith.constant 0 : i32
      %dma_wait3A_65 = tpu.memref_slice %arg6[%dma_wait3A, %dma_wait3A_62, %dma_wait3A_63, %dma_wait3A_64] : memref<2x2x128x128xf32, #tpu.memory_space<vmem>> -> memref<1x1x128x128xf32, #tpu.memory_space<vmem>>
      %dma_wait3A_66 = tpu.memref_squeeze %dma_wait3A_65 : memref<1x1x128x128xf32, #tpu.memory_space<vmem>> -> memref<128x128xf32, #tpu.memory_space<vmem>>
      %dma_wait3A_67 = arith.constant 0 : i32
      %dma_wait3A_68 = tpu.memref_slice %arg5[%add3A_57, %dma_wait3A_67] : memref<200x128xi32, #tpu.memory_space<vmem>> -> memref<1x128xi32, #tpu.memory_space<vmem>>
      %dma_wait3A_69 = tpu.memref_squeeze %dma_wait3A_68 : memref<1x128xi32, #tpu.memory_space<vmem>> -> memref<128xi32, #tpu.memory_space<vmem>>
      %dma_wait3A_70 = arith.constant 0 : i32
      %dma_wait3A_71 = arith.constant 0 : i32
      %dma_wait3A_72 = tpu.memref_slice %arg2[%dma_wait3A_70, %dma_wait3A_71] : memref<1000000x128xf32, #tpu.memory_space<hbm>> -> memref<1000000x128xf32, #tpu.memory_space<hbm>>
      tpu.wait_indirect_dma semaphore(%arg8 : memref<!tpu.dma_semaphore, #tpu.memory_space<semaphore_mem>>) src(%dma_wait3A_72 : memref<1000000x128xf32, #tpu.memory_space<hbm>>) dst(%dma_wait3A_66 : memref<128x128xf32, #tpu.memory_space<vmem>>)
      %dma_wait3A_73 = arith.constant 0 : i32
      %dma_wait3A_74 = arith.constant 1 : i32
      %dma_wait3A_75 = arith.constant 0 : i32
      %dma_wait3A_76 = arith.constant 0 : i32
      %dma_wait3A_77 = tpu.memref_slice %arg6[%dma_wait3A_73, %dma_wait3A_74, %dma_wait3A_75, %dma_wait3A_76] : memref<2x2x128x128xf32, #tpu.memory_space<vmem>> -> memref<1x1x128x128xf32, #tpu.memory_space<vmem>>
      %dma_wait3A_78 = tpu.memref_squeeze %dma_wait3A_77 : memref<1x1x128x128xf32, #tpu.memory_space<vmem>> -> memref<128x128xf32, #tpu.memory_space<vmem>>
      %dma_wait3A_79 = arith.constant 0 : i32
      %dma_wait3A_80 = tpu.memref_slice %arg5[%add3A_61, %dma_wait3A_79] : memref<200x128xi32, #tpu.memory_space<vmem>> -> memref<1x128xi32, #tpu.memory_space<vmem>>
      %dma_wait3A_81 = tpu.memref_squeeze %dma_wait3A_80 : memref<1x128xi32, #tpu.memory_space<vmem>> -> memref<128xi32, #tpu.memory_space<vmem>>
      %dma_wait3A_82 = arith.constant 0 : i32
      %dma_wait3A_83 = arith.constant 0 : i32
      %dma_wait3A_84 = tpu.memref_slice %arg2[%dma_wait3A_82, %dma_wait3A_83] : memref<1000000x128xf32, #tpu.memory_space<hbm>> -> memref<1000000x128xf32, #tpu.memory_space<hbm>>
      tpu.wait_indirect_dma semaphore(%arg8 : memref<!tpu.dma_semaphore, #tpu.memory_space<semaphore_mem>>) src(%dma_wait3A_84 : memref<1000000x128xf32, #tpu.memory_space<hbm>>) dst(%dma_wait3A_78 : memref<128x128xf32, #tpu.memory_space<vmem>>)
      %scan3A_85 = arith.constant 0 : i32
      %scan3A_86 = arith.constant 128 : i32
      %scan3A_87 = arith.addi %scan3A_85, %scan3A_86 : i32
      %scan3A_88 = arith.constant 2 : i32
      scf.for %scan3A_136 = %scan3A_85 to %scan3A_87 step %scan3A_88  : i32 {
        %mul3A_137 = arith.constant 1 : i32
        %mul3A_138 = arith.muli %scan3A_136, %mul3A_137 : i32
        %add3A_139 = arith.constant 0 : i32
        %add3A_140 = arith.addi %add3A_139, %mul3A_138 : i32
        %get3A = arith.index_cast %add3A_140 : i32 to index
        %get3A_141 = arith.constant 0 : index
        %get3A_142 = tpu.vector_load %arg7[%get3A, %get3A_141] {strides = array<i32>} : memref<128x64xf32, #tpu.memory_space<vmem>>, vector<1x16xf32>,
        %get3A_143 = vector.shape_cast %get3A_142 : vector<1x16xf32> to vector<16xf32>
        %get3A_144 = arith.constant 0 : i32
        %get3A_145 = arith.constant 0 : i32
        %get3A_146 = arith.index_cast %get3A_144 : i32 to index
        %get3A_147 = arith.index_cast %get3A_145 : i32 to index
        %get3A_148 = arith.index_cast %add3A_140 : i32 to index
        %get3A_149 = arith.constant 0 : index
        %get3A_150 = tpu.vector_load %arg6[%get3A_146, %get3A_147, %get3A_148, %get3A_149] {strides = array<i32>} : memref<2x2x128x128xf32, #tpu.memory_space<vmem>>, vector<1x1x1x16xf32>,
        %get3A_151 = vector.shape_cast %get3A_150 : vector<1x1x1x16xf32> to vector<16xf32>
        %add3A_152 = arith.addf %get3A_143, %get3A_151 : vector<16xf32>
        %get3A_153 = arith.constant 0 : i32
        %get3A_154 = arith.constant 1 : i32
        %get3A_155 = arith.index_cast %get3A_153 : i32 to index
        %get3A_156 = arith.index_cast %get3A_154 : i32 to index
        %get3A_157 = arith.index_cast %add3A_140 : i32 to index
        %get3A_158 = arith.constant 0 : index
        %get3A_159 = tpu.vector_load %arg6[%get3A_155, %get3A_156, %get3A_157, %get3A_158] {strides = array<i32>} : memref<2x2x128x128xf32, #tpu.memory_space<vmem>>, vector<1x1x1x16xf32>,
        %get3A_160 = vector.shape_cast %get3A_159 : vector<1x1x1x16xf32> to vector<16xf32>
        %add3A_161 = arith.addf %add3A_152, %get3A_160 : vector<16xf32>
        %swap3A = arith.index_cast %add3A_140 : i32 to index
        %swap3A_162 = arith.constant 0 : index
        %swap3A_163 = tpu.vector_load %arg7[%swap3A, %swap3A_162] {strides = array<i32>} : memref<128x64xf32, #tpu.memory_space<vmem>>, vector<1x16xf32>,
        %swap3A_164 = vector.shape_cast %swap3A_163 : vector<1x16xf32> to vector<16xf32>
        %swap3A_165 = vector.shape_cast %add3A_161 : vector<16xf32> to vector<1x16xf32>
        tpu.vector_store %arg7[%swap3A, %swap3A_162], %swap3A_165 {strides = array<i32>} : memref<128x64xf32, #tpu.memory_space<vmem>>, vector<1x16xf32>,
        %get3A_166 = arith.index_cast %add3A_140 : i32 to index
        %get3A_167 = arith.constant 16 : index
        %get3A_168 = tpu.vector_load %arg7[%get3A_166, %get3A_167] {strides = array<i32>} : memref<128x64xf32, #tpu.memory_space<vmem>>, vector<1x16xf32>,
        %get3A_169 = vector.shape_cast %get3A_168 : vector<1x16xf32> to vector<16xf32>
        %get3A_170 = arith.constant 0 : i32
        %get3A_171 = arith.constant 0 : i32
        %get3A_172 = arith.index_cast %get3A_170 : i32 to index
        %get3A_173 = arith.index_cast %get3A_171 : i32 to index
        %get3A_174 = arith.index_cast %add3A_140 : i32 to index
        %get3A_175 = arith.constant 16 : index
        %get3A_176 = tpu.vector_load %arg6[%get3A_172, %get3A_173, %get3A_174, %get3A_175] {strides = array<i32>} : memref<2x2x128x128xf32, #tpu.memory_space<vmem>>, vector<1x1x1x16xf32>,
        %get3A_177 = vector.shape_cast %get3A_176 : vector<1x1x1x16xf32> to vector<16xf32>
        %add3A_178 = arith.addf %get3A_169, %get3A_177 : vector<16xf32>
        %get3A_179 = arith.constant 0 : i32
        %get3A_180 = arith.constant 1 : i32
        %get3A_181 = arith.index_cast %get3A_179 : i32 to index
        %get3A_182 = arith.index_cast %get3A_180 : i32 to index
        %get3A_183 = arith.index_cast %add3A_140 : i32 to index
        %get3A_184 = arith.constant 16 : index
        %get3A_185 = tpu.vector_load %arg6[%get3A_181, %get3A_182, %get3A_183, %get3A_184] {strides = array<i32>} : memref<2x2x128x128xf32, #tpu.memory_space<vmem>>, vector<1x1x1x16xf32>,
        %get3A_186 = vector.shape_cast %get3A_185 : vector<1x1x1x16xf32> to vector<16xf32>
        %add3A_187 = arith.addf %add3A_178, %get3A_186 : vector<16xf32>
        %swap3A_188 = arith.index_cast %add3A_140 : i32 to index
        %swap3A_189 = arith.constant 16 : index
        %swap3A_190 = tpu.vector_load %arg7[%swap3A_188, %swap3A_189] {strides = array<i32>} : memref<128x64xf32, #tpu.memory_space<vmem>>, vector<1x16xf32>,
        %swap3A_191 = vector.shape_cast %swap3A_190 : vector<1x16xf32> to vector<16xf32>
        %swap3A_192 = vector.shape_cast %add3A_187 : vector<16xf32> to vector<1x16xf32>
        tpu.vector_store %arg7[%swap3A_188, %swap3A_189], %swap3A_192 {strides = array<i32>} : memref<128x64xf32, #tpu.memory_space<vmem>>, vector<1x16xf32>,
        %get3A_193 = arith.index_cast %add3A_140 : i32 to index
        %get3A_194 = arith.constant 32 : index
        %get3A_195 = tpu.vector_load %arg7[%get3A_193, %get3A_194] {strides = array<i32>} : memref<128x64xf32, #tpu.memory_space<vmem>>, vector<1x16xf32>,
        %get3A_196 = vector.shape_cast %get3A_195 : vector<1x16xf32> to vector<16xf32>
        %get3A_197 = arith.constant 0 : i32
        %get3A_198 = arith.constant 0 : i32
        %get3A_199 = arith.index_cast %get3A_197 : i32 to index
        %get3A_200 = arith.index_cast %get3A_198 : i32 to index
        %get3A_201 = arith.index_cast %add3A_140 : i32 to index
        %get3A_202 = arith.constant 32 : index
        %get3A_203 = tpu.vector_load %arg6[%get3A_199, %get3A_200, %get3A_201, %get3A_202] {strides = array<i32>} : memref<2x2x128x128xf32, #tpu.memory_space<vmem>>, vector<1x1x1x16xf32>,
        %get3A_204 = vector.shape_cast %get3A_203 : vector<1x1x1x16xf32> to vector<16xf32>
        %add3A_205 = arith.addf %get3A_196, %get3A_204 : vector<16xf32>
        %get3A_206 = arith.constant 0 : i32
        %get3A_207 = arith.constant 1 : i32
        %get3A_208 = arith.index_cast %get3A_206 : i32 to index
        %get3A_209 = arith.index_cast %get3A_207 : i32 to index
        %get3A_210 = arith.index_cast %add3A_140 : i32 to index
        %get3A_211 = arith.constant 32 : index
        %get3A_212 = tpu.vector_load %arg6[%get3A_208, %get3A_209, %get3A_210, %get3A_211] {strides = array<i32>} : memref<2x2x128x128xf32, #tpu.memory_space<vmem>>, vector<1x1x1x16xf32>,
        %get3A_213 = vector.shape_cast %get3A_212 : vector<1x1x1x16xf32> to vector<16xf32>
        %add3A_214 = arith.addf %add3A_205, %get3A_213 : vector<16xf32>
        %swap3A_215 = arith.index_cast %add3A_140 : i32 to index
        %swap3A_216 = arith.constant 32 : index
        %swap3A_217 = tpu.vector_load %arg7[%swap3A_215, %swap3A_216] {strides = array<i32>} : memref<128x64xf32, #tpu.memory_space<vmem>>, vector<1x16xf32>,
        %swap3A_218 = vector.shape_cast %swap3A_217 : vector<1x16xf32> to vector<16xf32>
        %swap3A_219 = vector.shape_cast %add3A_214 : vector<16xf32> to vector<1x16xf32>
        tpu.vector_store %arg7[%swap3A_215, %swap3A_216], %swap3A_219 {strides = array<i32>} : memref<128x64xf32, #tpu.memory_space<vmem>>, vector<1x16xf32>,
        %get3A_220 = arith.index_cast %add3A_140 : i32 to index
        %get3A_221 = arith.constant 48 : index
        %get3A_222 = tpu.vector_load %arg7[%get3A_220, %get3A_221] {strides = array<i32>} : memref<128x64xf32, #tpu.memory_space<vmem>>, vector<1x16xf32>,
        %get3A_223 = vector.shape_cast %get3A_222 : vector<1x16xf32> to vector<16xf32>
        %get3A_224 = arith.constant 0 : i32
        %get3A_225 = arith.constant 0 : i32
        %get3A_226 = arith.index_cast %get3A_224 : i32 to index
        %get3A_227 = arith.index_cast %get3A_225 : i32 to index
        %get3A_228 = arith.index_cast %add3A_140 : i32 to index
        %get3A_229 = arith.constant 48 : index
        %get3A_230 = tpu.vector_load %arg6[%get3A_226, %get3A_227, %get3A_228, %get3A_229] {strides = array<i32>} : memref<2x2x128x128xf32, #tpu.memory_space<vmem>>, vector<1x1x1x16xf32>,
        %get3A_231 = vector.shape_cast %get3A_230 : vector<1x1x1x16xf32> to vector<16xf32>
        %add3A_232 = arith.addf %get3A_223, %get3A_231 : vector<16xf32>
        %get3A_233 = arith.constant 0 : i32
        %get3A_234 = arith.constant 1 : i32
        %get3A_235 = arith.index_cast %get3A_233 : i32 to index
        %get3A_236 = arith.index_cast %get3A_234 : i32 to index
        %get3A_237 = arith.index_cast %add3A_140 : i32 to index
        %get3A_238 = arith.constant 48 : index
        %get3A_239 = tpu.vector_load %arg6[%get3A_235, %get3A_236, %get3A_237, %get3A_238] {strides = array<i32>} : memref<2x2x128x128xf32, #tpu.memory_space<vmem>>, vector<1x1x1x16xf32>,
        %get3A_240 = vector.shape_cast %get3A_239 : vector<1x1x1x16xf32> to vector<16xf32>
        %add3A_241 = arith.addf %add3A_232, %get3A_240 : vector<16xf32>
        %swap3A_242 = arith.index_cast %add3A_140 : i32 to index
        %swap3A_243 = arith.constant 48 : index
        %swap3A_244 = tpu.vector_load %arg7[%swap3A_242, %swap3A_243] {strides = array<i32>} : memref<128x64xf32, #tpu.memory_space<vmem>>, vector<1x16xf32>,
        %swap3A_245 = vector.shape_cast %swap3A_244 : vector<1x16xf32> to vector<16xf32>
        %swap3A_246 = vector.shape_cast %add3A_241 : vector<16xf32> to vector<1x16xf32>
        tpu.vector_store %arg7[%swap3A_242, %swap3A_243], %swap3A_246 {strides = array<i32>} : memref<128x64xf32, #tpu.memory_space<vmem>>, vector<1x16xf32>,
        %scan3A_247 = arith.constant 1 : i32
        %scan3A_248 = arith.addi %scan3A_136, %scan3A_247 : i32
        %mul3A_249 = arith.constant 1 : i32
        %mul3A_250 = arith.muli %scan3A_248, %mul3A_249 : i32
        %add3A_251 = arith.constant 0 : i32
        %add3A_252 = arith.addi %add3A_251, %mul3A_250 : i32
        %get3A_253 = arith.index_cast %add3A_252 : i32 to index
        %get3A_254 = arith.constant 0 : index
        %get3A_255 = tpu.vector_load %arg7[%get3A_253, %get3A_254] {strides = array<i32>} : memref<128x64xf32, #tpu.memory_space<vmem>>, vector<1x16xf32>,
        %get3A_256 = vector.shape_cast %get3A_255 : vector<1x16xf32> to vector<16xf32>
        %get3A_257 = arith.constant 0 : i32
        %get3A_258 = arith.constant 0 : i32
        %get3A_259 = arith.index_cast %get3A_257 : i32 to index
        %get3A_260 = arith.index_cast %get3A_258 : i32 to index
        %get3A_261 = arith.index_cast %add3A_252 : i32 to index
        %get3A_262 = arith.constant 0 : index
        %get3A_263 = tpu.vector_load %arg6[%get3A_259, %get3A_260, %get3A_261, %get3A_262] {strides = array<i32>} : memref<2x2x128x128xf32, #tpu.memory_space<vmem>>, vector<1x1x1x16xf32>,
        %get3A_264 = vector.shape_cast %get3A_263 : vector<1x1x1x16xf32> to vector<16xf32>
        %add3A_265 = arith.addf %get3A_256, %get3A_264 : vector<16xf32>
        %get3A_266 = arith.constant 0 : i32
        %get3A_267 = arith.constant 1 : i32
        %get3A_268 = arith.index_cast %get3A_266 : i32 to index
        %get3A_269 = arith.index_cast %get3A_267 : i32 to index
        %get3A_270 = arith.index_cast %add3A_252 : i32 to index
        %get3A_271 = arith.constant 0 : index
        %get3A_272 = tpu.vector_load %arg6[%get3A_268, %get3A_269, %get3A_270, %get3A_271] {strides = array<i32>} : memref<2x2x128x128xf32, #tpu.memory_space<vmem>>, vector<1x1x1x16xf32>,
        %get3A_273 = vector.shape_cast %get3A_272 : vector<1x1x1x16xf32> to vector<16xf32>
        %add3A_274 = arith.addf %add3A_265, %get3A_273 : vector<16xf32>
        %swap3A_275 = arith.index_cast %add3A_252 : i32 to index
        %swap3A_276 = arith.constant 0 : index
        %swap3A_277 = tpu.vector_load %arg7[%swap3A_275, %swap3A_276] {strides = array<i32>} : memref<128x64xf32, #tpu.memory_space<vmem>>, vector<1x16xf32>,
        %swap3A_278 = vector.shape_cast %swap3A_277 : vector<1x16xf32> to vector<16xf32>
        %swap3A_279 = vector.shape_cast %add3A_274 : vector<16xf32> to vector<1x16xf32>
        tpu.vector_store %arg7[%swap3A_275, %swap3A_276], %swap3A_279 {strides = array<i32>} : memref<128x64xf32, #tpu.memory_space<vmem>>, vector<1x16xf32>,
        %get3A_280 = arith.index_cast %add3A_252 : i32 to index
        %get3A_281 = arith.constant 16 : index
        %get3A_282 = tpu.vector_load %arg7[%get3A_280, %get3A_281] {strides = array<i32>} : memref<128x64xf32, #tpu.memory_space<vmem>>, vector<1x16xf32>,
        %get3A_283 = vector.shape_cast %get3A_282 : vector<1x16xf32> to vector<16xf32>
        %get3A_284 = arith.constant 0 : i32
        %get3A_285 = arith.constant 0 : i32
        %get3A_286 = arith.index_cast %get3A_284 : i32 to index
        %get3A_287 = arith.index_cast %get3A_285 : i32 to index
        %get3A_288 = arith.index_cast %add3A_252 : i32 to index
        %get3A_289 = arith.constant 16 : index
        %get3A_290 = tpu.vector_load %arg6[%get3A_286, %get3A_287, %get3A_288, %get3A_289] {strides = array<i32>} : memref<2x2x128x128xf32, #tpu.memory_space<vmem>>, vector<1x1x1x16xf32>,
        %get3A_291 = vector.shape_cast %get3A_290 : vector<1x1x1x16xf32> to vector<16xf32>
        %add3A_292 = arith.addf %get3A_283, %get3A_291 : vector<16xf32>
        %get3A_293 = arith.constant 0 : i32
        %get3A_294 = arith.constant 1 : i32
        %get3A_295 = arith.index_cast %get3A_293 : i32 to index
        %get3A_296 = arith.index_cast %get3A_294 : i32 to index
        %get3A_297 = arith.index_cast %add3A_252 : i32 to index
        %get3A_298 = arith.constant 16 : index
        %get3A_299 = tpu.vector_load %arg6[%get3A_295, %get3A_296, %get3A_297, %get3A_298] {strides = array<i32>} : memref<2x2x128x128xf32, #tpu.memory_space<vmem>>, vector<1x1x1x16xf32>,
        %get3A_300 = vector.shape_cast %get3A_299 : vector<1x1x1x16xf32> to vector<16xf32>
        %add3A_301 = arith.addf %add3A_292, %get3A_300 : vector<16xf32>
        %swap3A_302 = arith.index_cast %add3A_252 : i32 to index
        %swap3A_303 = arith.constant 16 : index
        %swap3A_304 = tpu.vector_load %arg7[%swap3A_302, %swap3A_303] {strides = array<i32>} : memref<128x64xf32, #tpu.memory_space<vmem>>, vector<1x16xf32>,
        %swap3A_305 = vector.shape_cast %swap3A_304 : vector<1x16xf32> to vector<16xf32>
        %swap3A_306 = vector.shape_cast %add3A_301 : vector<16xf32> to vector<1x16xf32>
        tpu.vector_store %arg7[%swap3A_302, %swap3A_303], %swap3A_306 {strides = array<i32>} : memref<128x64xf32, #tpu.memory_space<vmem>>, vector<1x16xf32>,
        %get3A_307 = arith.index_cast %add3A_252 : i32 to index
        %get3A_308 = arith.constant 32 : index
        %get3A_309 = tpu.vector_load %arg7[%get3A_307, %get3A_308] {strides = array<i32>} : memref<128x64xf32, #tpu.memory_space<vmem>>, vector<1x16xf32>,
        %get3A_310 = vector.shape_cast %get3A_309 : vector<1x16xf32> to vector<16xf32>
        %get3A_311 = arith.constant 0 : i32
        %get3A_312 = arith.constant 0 : i32
        %get3A_313 = arith.index_cast %get3A_311 : i32 to index
        %get3A_314 = arith.index_cast %get3A_312 : i32 to index
        %get3A_315 = arith.index_cast %add3A_252 : i32 to index
        %get3A_316 = arith.constant 32 : index
        %get3A_317 = tpu.vector_load %arg6[%get3A_313, %get3A_314, %get3A_315, %get3A_316] {strides = array<i32>} : memref<2x2x128x128xf32, #tpu.memory_space<vmem>>, vector<1x1x1x16xf32>,
        %get3A_318 = vector.shape_cast %get3A_317 : vector<1x1x1x16xf32> to vector<16xf32>
        %add3A_319 = arith.addf %get3A_310, %get3A_318 : vector<16xf32>
        %get3A_320 = arith.constant 0 : i32
        %get3A_321 = arith.constant 1 : i32
        %get3A_322 = arith.index_cast %get3A_320 : i32 to index
        %get3A_323 = arith.index_cast %get3A_321 : i32 to index
        %get3A_324 = arith.index_cast %add3A_252 : i32 to index
        %get3A_325 = arith.constant 32 : index
        %get3A_326 = tpu.vector_load %arg6[%get3A_322, %get3A_323, %get3A_324, %get3A_325] {strides = array<i32>} : memref<2x2x128x128xf32, #tpu.memory_space<vmem>>, vector<1x1x1x16xf32>,
        %get3A_327 = vector.shape_cast %get3A_326 : vector<1x1x1x16xf32> to vector<16xf32>
        %add3A_328 = arith.addf %add3A_319, %get3A_327 : vector<16xf32>
        %swap3A_329 = arith.index_cast %add3A_252 : i32 to index
        %swap3A_330 = arith.constant 32 : index
        %swap3A_331 = tpu.vector_load %arg7[%swap3A_329, %swap3A_330] {strides = array<i32>} : memref<128x64xf32, #tpu.memory_space<vmem>>, vector<1x16xf32>,
        %swap3A_332 = vector.shape_cast %swap3A_331 : vector<1x16xf32> to vector<16xf32>
        %swap3A_333 = vector.shape_cast %add3A_328 : vector<16xf32> to vector<1x16xf32>
        tpu.vector_store %arg7[%swap3A_329, %swap3A_330], %swap3A_333 {strides = array<i32>} : memref<128x64xf32, #tpu.memory_space<vmem>>, vector<1x16xf32>,
        %get3A_334 = arith.index_cast %add3A_252 : i32 to index
        %get3A_335 = arith.constant 48 : index
        %get3A_336 = tpu.vector_load %arg7[%get3A_334, %get3A_335] {strides = array<i32>} : memref<128x64xf32, #tpu.memory_space<vmem>>, vector<1x16xf32>,
        %get3A_337 = vector.shape_cast %get3A_336 : vector<1x16xf32> to vector<16xf32>
        %get3A_338 = arith.constant 0 : i32
        %get3A_339 = arith.constant 0 : i32
        %get3A_340 = arith.index_cast %get3A_338 : i32 to index
        %get3A_341 = arith.index_cast %get3A_339 : i32 to index
        %get3A_342 = arith.index_cast %add3A_252 : i32 to index
        %get3A_343 = arith.constant 48 : index
        %get3A_344 = tpu.vector_load %arg6[%get3A_340, %get3A_341, %get3A_342, %get3A_343] {strides = array<i32>} : memref<2x2x128x128xf32, #tpu.memory_space<vmem>>, vector<1x1x1x16xf32>,
        %get3A_345 = vector.shape_cast %get3A_344 : vector<1x1x1x16xf32> to vector<16xf32>
        %add3A_346 = arith.addf %get3A_337, %get3A_345 : vector<16xf32>
        %get3A_347 = arith.constant 0 : i32
        %get3A_348 = arith.constant 1 : i32
        %get3A_349 = arith.index_cast %get3A_347 : i32 to index
        %get3A_350 = arith.index_cast %get3A_348 : i32 to index
        %get3A_351 = arith.index_cast %add3A_252 : i32 to index
        %get3A_352 = arith.constant 48 : index
        %get3A_353 = tpu.vector_load %arg6[%get3A_349, %get3A_350, %get3A_351, %get3A_352] {strides = array<i32>} : memref<2x2x128x128xf32, #tpu.memory_space<vmem>>, vector<1x1x1x16xf32>,
        %get3A_354 = vector.shape_cast %get3A_353 : vector<1x1x1x16xf32> to vector<16xf32>
        %add3A_355 = arith.addf %add3A_346, %get3A_354 : vector<16xf32>
        %swap3A_356 = arith.index_cast %add3A_252 : i32 to index
        %swap3A_357 = arith.constant 48 : index
        %swap3A_358 = tpu.vector_load %arg7[%swap3A_356, %swap3A_357] {strides = array<i32>} : memref<128x64xf32, #tpu.memory_space<vmem>>, vector<1x16xf32>,
        %swap3A_359 = vector.shape_cast %swap3A_358 : vector<1x16xf32> to vector<16xf32>
        %swap3A_360 = vector.shape_cast %add3A_355 : vector<16xf32> to vector<1x16xf32>
        tpu.vector_store %arg7[%swap3A_356, %swap3A_357], %swap3A_360 {strides = array<i32>} : memref<128x64xf32, #tpu.memory_space<vmem>>, vector<1x16xf32>,
      }
      %scan3A_89 = arith.constant 128 : i32
      %add3A_90 = arith.constant 1 : i32
      %add3A_91 = arith.addi %add3A_47, %add3A_90 : i32
      %add3A_92 = arith.constant 1 : i32
      %add3A_93 = arith.addi %add3A_91, %add3A_92 : i32
      %lt3A_94 = arith.constant 100 : i32
      %lt3A_95 = arith.cmpi slt, %add3A_93, %lt3A_94 : i32
      %convert_element_type3A_96 = arith.extui %lt3A_95 : i1 to i32
      %cond3A_97 = arith.constant 0 : i32
      %cond3A_98 = arith.cmpi ne, %convert_element_type3A_96, %cond3A_97 : i32
      scf.if %cond3A_98 {
        %add3A_136 = arith.constant 1 : i32
        %add3A_137 = arith.addi %add3A_91, %add3A_136 : i32
        %mul3A_138 = arith.constant 2 : i32
        %mul3A_139 = arith.muli %add3A_137, %mul3A_138 : i32
        %add3A_140 = arith.constant 0 : i32
        %add3A_141 = arith.addi %mul3A_139, %add3A_140 : i32
        %mul3A_142 = arith.constant 2 : i32
        %mul3A_143 = arith.muli %add3A_137, %mul3A_142 : i32
        %add3A_144 = arith.constant 1 : i32
        %add3A_145 = arith.addi %mul3A_143, %add3A_144 : i32
        %dma_start3A_146 = arith.constant 0 : i32
        %dma_start3A_147 = arith.constant 0 : i32
        %dma_start3A_148 = arith.constant 0 : i32
        %dma_start3A_149 = arith.constant 0 : i32
        %dma_start3A_150 = tpu.memref_slice %arg6[%dma_start3A_146, %dma_start3A_147, %dma_start3A_148, %dma_start3A_149] : memref<2x2x128x128xf32, #tpu.memory_space<vmem>> -> memref<1x1x128x128xf32, #tpu.memory_space<vmem>>
        %dma_start3A_151 = tpu.memref_squeeze %dma_start3A_150 : memref<1x1x128x128xf32, #tpu.memory_space<vmem>> -> memref<128x128xf32, #tpu.memory_space<vmem>>
        %dma_start3A_152 = arith.constant 0 : i32
        %dma_start3A_153 = tpu.memref_slice %arg5[%add3A_141, %dma_start3A_152] : memref<200x128xi32, #tpu.memory_space<vmem>> -> memref<1x128xi32, #tpu.memory_space<vmem>>
        %dma_start3A_154 = tpu.memref_squeeze %dma_start3A_153 : memref<1x128xi32, #tpu.memory_space<vmem>> -> memref<128xi32, #tpu.memory_space<vmem>>
        %dma_start3A_155 = arith.constant 0 : i32
        %dma_start3A_156 = arith.constant 0 : i32
        %dma_start3A_157 = tpu.memref_slice %arg2[%dma_start3A_155, %dma_start3A_156] : memref<1000000x128xf32, #tpu.memory_space<hbm>> -> memref<1000000x128xf32, #tpu.memory_space<hbm>>
        tpu.enqueue_indirect_dma source(%dma_start3A_157 : memref<1000000x128xf32, #tpu.memory_space<hbm>>) target(%dma_start3A_151 : memref<128x128xf32, #tpu.memory_space<vmem>>) offsets(%dma_start3A_154 : memref<128xi32, #tpu.memory_space<vmem>>) semaphore(%arg8 : memref<!tpu.dma_semaphore, #tpu.memory_space<semaphore_mem>>)
        %dma_start3A_158 = arith.constant 0 : i32
        %dma_start3A_159 = arith.constant 1 : i32
        %dma_start3A_160 = arith.constant 0 : i32
        %dma_start3A_161 = arith.constant 0 : i32
        %dma_start3A_162 = tpu.memref_slice %arg6[%dma_start3A_158, %dma_start3A_159, %dma_start3A_160, %dma_start3A_161] : memref<2x2x128x128xf32, #tpu.memory_space<vmem>> -> memref<1x1x128x128xf32, #tpu.memory_space<vmem>>
        %dma_start3A_163 = tpu.memref_squeeze %dma_start3A_162 : memref<1x1x128x128xf32, #tpu.memory_space<vmem>> -> memref<128x128xf32, #tpu.memory_space<vmem>>
        %dma_start3A_164 = arith.constant 0 : i32
        %dma_start3A_165 = tpu.memref_slice %arg5[%add3A_145, %dma_start3A_164] : memref<200x128xi32, #tpu.memory_space<vmem>> -> memref<1x128xi32, #tpu.memory_space<vmem>>
        %dma_start3A_166 = tpu.memref_squeeze %dma_start3A_165 : memref<1x128xi32, #tpu.memory_space<vmem>> -> memref<128xi32, #tpu.memory_space<vmem>>
        %dma_start3A_167 = arith.constant 0 : i32
        %dma_start3A_168 = arith.constant 0 : i32
        %dma_start3A_169 = tpu.memref_slice %arg2[%dma_start3A_167, %dma_start3A_168] : memref<1000000x128xf32, #tpu.memory_space<hbm>> -> memref<1000000x128xf32, #tpu.memory_space<hbm>>
        tpu.enqueue_indirect_dma source(%dma_start3A_169 : memref<1000000x128xf32, #tpu.memory_space<hbm>>) target(%dma_start3A_163 : memref<128x128xf32, #tpu.memory_space<vmem>>) offsets(%dma_start3A_166 : memref<128xi32, #tpu.memory_space<vmem>>) semaphore(%arg8 : memref<!tpu.dma_semaphore, #tpu.memory_space<semaphore_mem>>)
      } else {
      }
      %mul3A_99 = arith.constant 2 : i32
      %mul3A_100 = arith.muli %add3A_91, %mul3A_99 : i32
      %add3A_101 = arith.constant 0 : i32
      %add3A_102 = arith.addi %mul3A_100, %add3A_101 : i32
      %mul3A_103 = arith.constant 2 : i32
      %mul3A_104 = arith.muli %add3A_91, %mul3A_103 : i32
      %add3A_105 = arith.constant 1 : i32
      %add3A_106 = arith.addi %mul3A_104, %add3A_105 : i32
      %dma_wait3A_107 = arith.constant 1 : i32
      %dma_wait3A_108 = arith.constant 0 : i32
      %dma_wait3A_109 = arith.constant 0 : i32
      %dma_wait3A_110 = arith.constant 0 : i32
      %dma_wait3A_111 = tpu.memref_slice %arg6[%dma_wait3A_107, %dma_wait3A_108, %dma_wait3A_109, %dma_wait3A_110] : memref<2x2x128x128xf32, #tpu.memory_space<vmem>> -> memref<1x1x128x128xf32, #tpu.memory_space<vmem>>
      %dma_wait3A_112 = tpu.memref_squeeze %dma_wait3A_111 : memref<1x1x128x128xf32, #tpu.memory_space<vmem>> -> memref<128x128xf32, #tpu.memory_space<vmem>>
      %dma_wait3A_113 = arith.constant 0 : i32
      %dma_wait3A_114 = tpu.memref_slice %arg5[%add3A_102, %dma_wait3A_113] : memref<200x128xi32, #tpu.memory_space<vmem>> -> memref<1x128xi32, #tpu.memory_space<vmem>>
      %dma_wait3A_115 = tpu.memref_squeeze %dma_wait3A_114 : memref<1x128xi32, #tpu.memory_space<vmem>> -> memref<128xi32, #tpu.memory_space<vmem>>
      %dma_wait3A_116 = arith.constant 0 : i32
      %dma_wait3A_117 = arith.constant 0 : i32
      %dma_wait3A_118 = tpu.memref_slice %arg2[%dma_wait3A_116, %dma_wait3A_117] : memref<1000000x128xf32, #tpu.memory_space<hbm>> -> memref<1000000x128xf32, #tpu.memory_space<hbm>>
      tpu.wait_indirect_dma semaphore(%arg9 : memref<!tpu.dma_semaphore, #tpu.memory_space<semaphore_mem>>) src(%dma_wait3A_118 : memref<1000000x128xf32, #tpu.memory_space<hbm>>) dst(%dma_wait3A_112 : memref<128x128xf32, #tpu.memory_space<vmem>>)
      %dma_wait3A_119 = arith.constant 1 : i32
      %dma_wait3A_120 = arith.constant 1 : i32
      %dma_wait3A_121 = arith.constant 0 : i32
      %dma_wait3A_122 = arith.constant 0 : i32
      %dma_wait3A_123 = tpu.memref_slice %arg6[%dma_wait3A_119, %dma_wait3A_120, %dma_wait3A_121, %dma_wait3A_122] : memref<2x2x128x128xf32, #tpu.memory_space<vmem>> -> memref<1x1x128x128xf32, #tpu.memory_space<vmem>>
      %dma_wait3A_124 = tpu.memref_squeeze %dma_wait3A_123 : memref<1x1x128x128xf32, #tpu.memory_space<vmem>> -> memref<128x128xf32, #tpu.memory_space<vmem>>
      %dma_wait3A_125 = arith.constant 0 : i32
      %dma_wait3A_126 = tpu.memref_slice %arg5[%add3A_106, %dma_wait3A_125] : memref<200x128xi32, #tpu.memory_space<vmem>> -> memref<1x128xi32, #tpu.memory_space<vmem>>
      %dma_wait3A_127 = tpu.memref_squeeze %dma_wait3A_126 : memref<1x128xi32, #tpu.memory_space<vmem>> -> memref<128xi32, #tpu.memory_space<vmem>>
      %dma_wait3A_128 = arith.constant 0 : i32
      %dma_wait3A_129 = arith.constant 0 : i32
      %dma_wait3A_130 = tpu.memref_slice %arg2[%dma_wait3A_128, %dma_wait3A_129] : memref<1000000x128xf32, #tpu.memory_space<hbm>> -> memref<1000000x128xf32, #tpu.memory_space<hbm>>
      tpu.wait_indirect_dma semaphore(%arg9 : memref<!tpu.dma_semaphore, #tpu.memory_space<semaphore_mem>>) src(%dma_wait3A_130 : memref<1000000x128xf32, #tpu.memory_space<hbm>>) dst(%dma_wait3A_124 : memref<128x128xf32, #tpu.memory_space<vmem>>)
      %scan3A_131 = arith.constant 0 : i32
      %scan3A_132 = arith.constant 128 : i32
      %scan3A_133 = arith.addi %scan3A_131, %scan3A_132 : i32
      %scan3A_134 = arith.constant 2 : i32
      scf.for %scan3A_136 = %scan3A_131 to %scan3A_133 step %scan3A_134  : i32 {
        %mul3A_137 = arith.constant 1 : i32
        %mul3A_138 = arith.muli %scan3A_136, %mul3A_137 : i32
        %add3A_139 = arith.constant 0 : i32
        %add3A_140 = arith.addi %add3A_139, %mul3A_138 : i32
        %get3A = arith.index_cast %add3A_140 : i32 to index
        %get3A_141 = arith.constant 0 : index
        %get3A_142 = tpu.vector_load %arg7[%get3A, %get3A_141] {strides = array<i32>} : memref<128x64xf32, #tpu.memory_space<vmem>>, vector<1x16xf32>,
        %get3A_143 = vector.shape_cast %get3A_142 : vector<1x16xf32> to vector<16xf32>
        %get3A_144 = arith.constant 1 : i32
        %get3A_145 = arith.constant 0 : i32
        %get3A_146 = arith.index_cast %get3A_144 : i32 to index
        %get3A_147 = arith.index_cast %get3A_145 : i32 to index
        %get3A_148 = arith.index_cast %add3A_140 : i32 to index
        %get3A_149 = arith.constant 0 : index
        %get3A_150 = tpu.vector_load %arg6[%get3A_146, %get3A_147, %get3A_148, %get3A_149] {strides = array<i32>} : memref<2x2x128x128xf32, #tpu.memory_space<vmem>>, vector<1x1x1x16xf32>,
        %get3A_151 = vector.shape_cast %get3A_150 : vector<1x1x1x16xf32> to vector<16xf32>
        %add3A_152 = arith.addf %get3A_143, %get3A_151 : vector<16xf32>
        %get3A_153 = arith.constant 1 : i32
        %get3A_154 = arith.constant 1 : i32
        %get3A_155 = arith.index_cast %get3A_153 : i32 to index
        %get3A_156 = arith.index_cast %get3A_154 : i32 to index
        %get3A_157 = arith.index_cast %add3A_140 : i32 to index
        %get3A_158 = arith.constant 0 : index
        %get3A_159 = tpu.vector_load %arg6[%get3A_155, %get3A_156, %get3A_157, %get3A_158] {strides = array<i32>} : memref<2x2x128x128xf32, #tpu.memory_space<vmem>>, vector<1x1x1x16xf32>,
        %get3A_160 = vector.shape_cast %get3A_159 : vector<1x1x1x16xf32> to vector<16xf32>
        %add3A_161 = arith.addf %add3A_152, %get3A_160 : vector<16xf32>
        %swap3A = arith.index_cast %add3A_140 : i32 to index
        %swap3A_162 = arith.constant 0 : index
        %swap3A_163 = tpu.vector_load %arg7[%swap3A, %swap3A_162] {strides = array<i32>} : memref<128x64xf32, #tpu.memory_space<vmem>>, vector<1x16xf32>,
        %swap3A_164 = vector.shape_cast %swap3A_163 : vector<1x16xf32> to vector<16xf32>
        %swap3A_165 = vector.shape_cast %add3A_161 : vector<16xf32> to vector<1x16xf32>
        tpu.vector_store %arg7[%swap3A, %swap3A_162], %swap3A_165 {strides = array<i32>} : memref<128x64xf32, #tpu.memory_space<vmem>>, vector<1x16xf32>,
        %get3A_166 = arith.index_cast %add3A_140 : i32 to index
        %get3A_167 = arith.constant 16 : index
        %get3A_168 = tpu.vector_load %arg7[%get3A_166, %get3A_167] {strides = array<i32>} : memref<128x64xf32, #tpu.memory_space<vmem>>, vector<1x16xf32>,
        %get3A_169 = vector.shape_cast %get3A_168 : vector<1x16xf32> to vector<16xf32>
        %get3A_170 = arith.constant 1 : i32
        %get3A_171 = arith.constant 0 : i32
        %get3A_172 = arith.index_cast %get3A_170 : i32 to index
        %get3A_173 = arith.index_cast %get3A_171 : i32 to index
        %get3A_174 = arith.index_cast %add3A_140 : i32 to index
        %get3A_175 = arith.constant 16 : index
        %get3A_176 = tpu.vector_load %arg6[%get3A_172, %get3A_173, %get3A_174, %get3A_175] {strides = array<i32>} : memref<2x2x128x128xf32, #tpu.memory_space<vmem>>, vector<1x1x1x16xf32>,
        %get3A_177 = vector.shape_cast %get3A_176 : vector<1x1x1x16xf32> to vector<16xf32>
        %add3A_178 = arith.addf %get3A_169, %get3A_177 : vector<16xf32>
        %get3A_179 = arith.constant 1 : i32
        %get3A_180 = arith.constant 1 : i32
        %get3A_181 = arith.index_cast %get3A_179 : i32 to index
        %get3A_182 = arith.index_cast %get3A_180 : i32 to index
        %get3A_183 = arith.index_cast %add3A_140 : i32 to index
        %get3A_184 = arith.constant 16 : index
        %get3A_185 = tpu.vector_load %arg6[%get3A_181, %get3A_182, %get3A_183, %get3A_184] {strides = array<i32>} : memref<2x2x128x128xf32, #tpu.memory_space<vmem>>, vector<1x1x1x16xf32>,
        %get3A_186 = vector.shape_cast %get3A_185 : vector<1x1x1x16xf32> to vector<16xf32>
        %add3A_187 = arith.addf %add3A_178, %get3A_186 : vector<16xf32>
        %swap3A_188 = arith.index_cast %add3A_140 : i32 to index
        %swap3A_189 = arith.constant 16 : index
        %swap3A_190 = tpu.vector_load %arg7[%swap3A_188, %swap3A_189] {strides = array<i32>} : memref<128x64xf32, #tpu.memory_space<vmem>>, vector<1x16xf32>,
        %swap3A_191 = vector.shape_cast %swap3A_190 : vector<1x16xf32> to vector<16xf32>
        %swap3A_192 = vector.shape_cast %add3A_187 : vector<16xf32> to vector<1x16xf32>
        tpu.vector_store %arg7[%swap3A_188, %swap3A_189], %swap3A_192 {strides = array<i32>} : memref<128x64xf32, #tpu.memory_space<vmem>>, vector<1x16xf32>,
        %get3A_193 = arith.index_cast %add3A_140 : i32 to index
        %get3A_194 = arith.constant 32 : index
        %get3A_195 = tpu.vector_load %arg7[%get3A_193, %get3A_194] {strides = array<i32>} : memref<128x64xf32, #tpu.memory_space<vmem>>, vector<1x16xf32>,
        %get3A_196 = vector.shape_cast %get3A_195 : vector<1x16xf32> to vector<16xf32>
        %get3A_197 = arith.constant 1 : i32
        %get3A_198 = arith.constant 0 : i32
        %get3A_199 = arith.index_cast %get3A_197 : i32 to index
        %get3A_200 = arith.index_cast %get3A_198 : i32 to index
        %get3A_201 = arith.index_cast %add3A_140 : i32 to index
        %get3A_202 = arith.constant 32 : index
        %get3A_203 = tpu.vector_load %arg6[%get3A_199, %get3A_200, %get3A_201, %get3A_202] {strides = array<i32>} : memref<2x2x128x128xf32, #tpu.memory_space<vmem>>, vector<1x1x1x16xf32>,
        %get3A_204 = vector.shape_cast %get3A_203 : vector<1x1x1x16xf32> to vector<16xf32>
        %add3A_205 = arith.addf %get3A_196, %get3A_204 : vector<16xf32>
        %get3A_206 = arith.constant 1 : i32
        %get3A_207 = arith.constant 1 : i32
        %get3A_208 = arith.index_cast %get3A_206 : i32 to index
        %get3A_209 = arith.index_cast %get3A_207 : i32 to index
        %get3A_210 = arith.index_cast %add3A_140 : i32 to index
        %get3A_211 = arith.constant 32 : index
        %get3A_212 = tpu.vector_load %arg6[%get3A_208, %get3A_209, %get3A_210, %get3A_211] {strides = array<i32>} : memref<2x2x128x128xf32, #tpu.memory_space<vmem>>, vector<1x1x1x16xf32>,
        %get3A_213 = vector.shape_cast %get3A_212 : vector<1x1x1x16xf32> to vector<16xf32>
        %add3A_214 = arith.addf %add3A_205, %get3A_213 : vector<16xf32>
        %swap3A_215 = arith.index_cast %add3A_140 : i32 to index
        %swap3A_216 = arith.constant 32 : index
        %swap3A_217 = tpu.vector_load %arg7[%swap3A_215, %swap3A_216] {strides = array<i32>} : memref<128x64xf32, #tpu.memory_space<vmem>>, vector<1x16xf32>,
        %swap3A_218 = vector.shape_cast %swap3A_217 : vector<1x16xf32> to vector<16xf32>
        %swap3A_219 = vector.shape_cast %add3A_214 : vector<16xf32> to vector<1x16xf32>
        tpu.vector_store %arg7[%swap3A_215, %swap3A_216], %swap3A_219 {strides = array<i32>} : memref<128x64xf32, #tpu.memory_space<vmem>>, vector<1x16xf32>,
        %get3A_220 = arith.index_cast %add3A_140 : i32 to index
        %get3A_221 = arith.constant 48 : index
        %get3A_222 = tpu.vector_load %arg7[%get3A_220, %get3A_221] {strides = array<i32>} : memref<128x64xf32, #tpu.memory_space<vmem>>, vector<1x16xf32>,
        %get3A_223 = vector.shape_cast %get3A_222 : vector<1x16xf32> to vector<16xf32>
        %get3A_224 = arith.constant 1 : i32
        %get3A_225 = arith.constant 0 : i32
        %get3A_226 = arith.index_cast %get3A_224 : i32 to index
        %get3A_227 = arith.index_cast %get3A_225 : i32 to index
        %get3A_228 = arith.index_cast %add3A_140 : i32 to index
        %get3A_229 = arith.constant 48 : index
        %get3A_230 = tpu.vector_load %arg6[%get3A_226, %get3A_227, %get3A_228, %get3A_229] {strides = array<i32>} : memref<2x2x128x128xf32, #tpu.memory_space<vmem>>, vector<1x1x1x16xf32>,
        %get3A_231 = vector.shape_cast %get3A_230 : vector<1x1x1x16xf32> to vector<16xf32>
        %add3A_232 = arith.addf %get3A_223, %get3A_231 : vector<16xf32>
        %get3A_233 = arith.constant 1 : i32
        %get3A_234 = arith.constant 1 : i32
        %get3A_235 = arith.index_cast %get3A_233 : i32 to index
        %get3A_236 = arith.index_cast %get3A_234 : i32 to index
        %get3A_237 = arith.index_cast %add3A_140 : i32 to index
        %get3A_238 = arith.constant 48 : index
        %get3A_239 = tpu.vector_load %arg6[%get3A_235, %get3A_236, %get3A_237, %get3A_238] {strides = array<i32>} : memref<2x2x128x128xf32, #tpu.memory_space<vmem>>, vector<1x1x1x16xf32>,
        %get3A_240 = vector.shape_cast %get3A_239 : vector<1x1x1x16xf32> to vector<16xf32>
        %add3A_241 = arith.addf %add3A_232, %get3A_240 : vector<16xf32>
        %swap3A_242 = arith.index_cast %add3A_140 : i32 to index
        %swap3A_243 = arith.constant 48 : index
        %swap3A_244 = tpu.vector_load %arg7[%swap3A_242, %swap3A_243] {strides = array<i32>} : memref<128x64xf32, #tpu.memory_space<vmem>>, vector<1x16xf32>,
        %swap3A_245 = vector.shape_cast %swap3A_244 : vector<1x16xf32> to vector<16xf32>
        %swap3A_246 = vector.shape_cast %add3A_241 : vector<16xf32> to vector<1x16xf32>
        tpu.vector_store %arg7[%swap3A_242, %swap3A_243], %swap3A_246 {strides = array<i32>} : memref<128x64xf32, #tpu.memory_space<vmem>>, vector<1x16xf32>,
        %scan3A_247 = arith.constant 1 : i32
        %scan3A_248 = arith.addi %scan3A_136, %scan3A_247 : i32
        %mul3A_249 = arith.constant 1 : i32
        %mul3A_250 = arith.muli %scan3A_248, %mul3A_249 : i32
        %add3A_251 = arith.constant 0 : i32
        %add3A_252 = arith.addi %add3A_251, %mul3A_250 : i32
        %get3A_253 = arith.index_cast %add3A_252 : i32 to index
        %get3A_254 = arith.constant 0 : index
        %get3A_255 = tpu.vector_load %arg7[%get3A_253, %get3A_254] {strides = array<i32>} : memref<128x64xf32, #tpu.memory_space<vmem>>, vector<1x16xf32>,
        %get3A_256 = vector.shape_cast %get3A_255 : vector<1x16xf32> to vector<16xf32>
        %get3A_257 = arith.constant 1 : i32
        %get3A_258 = arith.constant 0 : i32
        %get3A_259 = arith.index_cast %get3A_257 : i32 to index
        %get3A_260 = arith.index_cast %get3A_258 : i32 to index
        %get3A_261 = arith.index_cast %add3A_252 : i32 to index
        %get3A_262 = arith.constant 0 : index
        %get3A_263 = tpu.vector_load %arg6[%get3A_259, %get3A_260, %get3A_261, %get3A_262] {strides = array<i32>} : memref<2x2x128x128xf32, #tpu.memory_space<vmem>>, vector<1x1x1x16xf32>,
        %get3A_264 = vector.shape_cast %get3A_263 : vector<1x1x1x16xf32> to vector<16xf32>
        %add3A_265 = arith.addf %get3A_256, %get3A_264 : vector<16xf32>
        %get3A_266 = arith.constant 1 : i32
        %get3A_267 = arith.constant 1 : i32
        %get3A_268 = arith.index_cast %get3A_266 : i32 to index
        %get3A_269 = arith.index_cast %get3A_267 : i32 to index
        %get3A_270 = arith.index_cast %add3A_252 : i32 to index
        %get3A_271 = arith.constant 0 : index
        %get3A_272 = tpu.vector_load %arg6[%get3A_268, %get3A_269, %get3A_270, %get3A_271] {strides = array<i32>} : memref<2x2x128x128xf32, #tpu.memory_space<vmem>>, vector<1x1x1x16xf32>,
        %get3A_273 = vector.shape_cast %get3A_272 : vector<1x1x1x16xf32> to vector<16xf32>
        %add3A_274 = arith.addf %add3A_265, %get3A_273 : vector<16xf32>
        %swap3A_275 = arith.index_cast %add3A_252 : i32 to index
        %swap3A_276 = arith.constant 0 : index
        %swap3A_277 = tpu.vector_load %arg7[%swap3A_275, %swap3A_276] {strides = array<i32>} : memref<128x64xf32, #tpu.memory_space<vmem>>, vector<1x16xf32>,
        %swap3A_278 = vector.shape_cast %swap3A_277 : vector<1x16xf32> to vector<16xf32>
        %swap3A_279 = vector.shape_cast %add3A_274 : vector<16xf32> to vector<1x16xf32>
        tpu.vector_store %arg7[%swap3A_275, %swap3A_276], %swap3A_279 {strides = array<i32>} : memref<128x64xf32, #tpu.memory_space<vmem>>, vector<1x16xf32>,
        %get3A_280 = arith.index_cast %add3A_252 : i32 to index
        %get3A_281 = arith.constant 16 : index
        %get3A_282 = tpu.vector_load %arg7[%get3A_280, %get3A_281] {strides = array<i32>} : memref<128x64xf32, #tpu.memory_space<vmem>>, vector<1x16xf32>,
        %get3A_283 = vector.shape_cast %get3A_282 : vector<1x16xf32> to vector<16xf32>
        %get3A_284 = arith.constant 1 : i32
        %get3A_285 = arith.constant 0 : i32
        %get3A_286 = arith.index_cast %get3A_284 : i32 to index
        %get3A_287 = arith.index_cast %get3A_285 : i32 to index
        %get3A_288 = arith.index_cast %add3A_252 : i32 to index
        %get3A_289 = arith.constant 16 : index
        %get3A_290 = tpu.vector_load %arg6[%get3A_286, %get3A_287, %get3A_288, %get3A_289] {strides = array<i32>} : memref<2x2x128x128xf32, #tpu.memory_space<vmem>>, vector<1x1x1x16xf32>,
        %get3A_291 = vector.shape_cast %get3A_290 : vector<1x1x1x16xf32> to vector<16xf32>
        %add3A_292 = arith.addf %get3A_283, %get3A_291 : vector<16xf32>
        %get3A_293 = arith.constant 1 : i32
        %get3A_294 = arith.constant 1 : i32
        %get3A_295 = arith.index_cast %get3A_293 : i32 to index
        %get3A_296 = arith.index_cast %get3A_294 : i32 to index
        %get3A_297 = arith.index_cast %add3A_252 : i32 to index
        %get3A_298 = arith.constant 16 : index
        %get3A_299 = tpu.vector_load %arg6[%get3A_295, %get3A_296, %get3A_297, %get3A_298] {strides = array<i32>} : memref<2x2x128x128xf32, #tpu.memory_space<vmem>>, vector<1x1x1x16xf32>,
        %get3A_300 = vector.shape_cast %get3A_299 : vector<1x1x1x16xf32> to vector<16xf32>
        %add3A_301 = arith.addf %add3A_292, %get3A_300 : vector<16xf32>
        %swap3A_302 = arith.index_cast %add3A_252 : i32 to index
        %swap3A_303 = arith.constant 16 : index
        %swap3A_304 = tpu.vector_load %arg7[%swap3A_302, %swap3A_303] {strides = array<i32>} : memref<128x64xf32, #tpu.memory_space<vmem>>, vector<1x16xf32>,
        %swap3A_305 = vector.shape_cast %swap3A_304 : vector<1x16xf32> to vector<16xf32>
        %swap3A_306 = vector.shape_cast %add3A_301 : vector<16xf32> to vector<1x16xf32>
        tpu.vector_store %arg7[%swap3A_302, %swap3A_303], %swap3A_306 {strides = array<i32>} : memref<128x64xf32, #tpu.memory_space<vmem>>, vector<1x16xf32>,
        %get3A_307 = arith.index_cast %add3A_252 : i32 to index
        %get3A_308 = arith.constant 32 : index
        %get3A_309 = tpu.vector_load %arg7[%get3A_307, %get3A_308] {strides = array<i32>} : memref<128x64xf32, #tpu.memory_space<vmem>>, vector<1x16xf32>,
        %get3A_310 = vector.shape_cast %get3A_309 : vector<1x16xf32> to vector<16xf32>
        %get3A_311 = arith.constant 1 : i32
        %get3A_312 = arith.constant 0 : i32
        %get3A_313 = arith.index_cast %get3A_311 : i32 to index
        %get3A_314 = arith.index_cast %get3A_312 : i32 to index
        %get3A_315 = arith.index_cast %add3A_252 : i32 to index
        %get3A_316 = arith.constant 32 : index
        %get3A_317 = tpu.vector_load %arg6[%get3A_313, %get3A_314, %get3A_315, %get3A_316] {strides = array<i32>} : memref<2x2x128x128xf32, #tpu.memory_space<vmem>>, vector<1x1x1x16xf32>,
        %get3A_318 = vector.shape_cast %get3A_317 : vector<1x1x1x16xf32> to vector<16xf32>
        %add3A_319 = arith.addf %get3A_310, %get3A_318 : vector<16xf32>
        %get3A_320 = arith.constant 1 : i32
        %get3A_321 = arith.constant 1 : i32
        %get3A_322 = arith.index_cast %get3A_320 : i32 to index
        %get3A_323 = arith.index_cast %get3A_321 : i32 to index
        %get3A_324 = arith.index_cast %add3A_252 : i32 to index
        %get3A_325 = arith.constant 32 : index
        %get3A_326 = tpu.vector_load %arg6[%get3A_322, %get3A_323, %get3A_324, %get3A_325] {strides = array<i32>} : memref<2x2x128x128xf32, #tpu.memory_space<vmem>>, vector<1x1x1x16xf32>,
        %get3A_327 = vector.shape_cast %get3A_326 : vector<1x1x1x16xf32> to vector<16xf32>
        %add3A_328 = arith.addf %add3A_319, %get3A_327 : vector<16xf32>
        %swap3A_329 = arith.index_cast %add3A_252 : i32 to index
        %swap3A_330 = arith.constant 32 : index
        %swap3A_331 = tpu.vector_load %arg7[%swap3A_329, %swap3A_330] {strides = array<i32>} : memref<128x64xf32, #tpu.memory_space<vmem>>, vector<1x16xf32>,
        %swap3A_332 = vector.shape_cast %swap3A_331 : vector<1x16xf32> to vector<16xf32>
        %swap3A_333 = vector.shape_cast %add3A_328 : vector<16xf32> to vector<1x16xf32>
        tpu.vector_store %arg7[%swap3A_329, %swap3A_330], %swap3A_333 {strides = array<i32>} : memref<128x64xf32, #tpu.memory_space<vmem>>, vector<1x16xf32>,
        %get3A_334 = arith.index_cast %add3A_252 : i32 to index
        %get3A_335 = arith.constant 48 : index
        %get3A_336 = tpu.vector_load %arg7[%get3A_334, %get3A_335] {strides = array<i32>} : memref<128x64xf32, #tpu.memory_space<vmem>>, vector<1x16xf32>,
        %get3A_337 = vector.shape_cast %get3A_336 : vector<1x16xf32> to vector<16xf32>
        %get3A_338 = arith.constant 1 : i32
        %get3A_339 = arith.constant 0 : i32
        %get3A_340 = arith.index_cast %get3A_338 : i32 to index
        %get3A_341 = arith.index_cast %get3A_339 : i32 to index
        %get3A_342 = arith.index_cast %add3A_252 : i32 to index
        %get3A_343 = arith.constant 48 : index
        %get3A_344 = tpu.vector_load %arg6[%get3A_340, %get3A_341, %get3A_342, %get3A_343] {strides = array<i32>} : memref<2x2x128x128xf32, #tpu.memory_space<vmem>>, vector<1x1x1x16xf32>,
        %get3A_345 = vector.shape_cast %get3A_344 : vector<1x1x1x16xf32> to vector<16xf32>
        %add3A_346 = arith.addf %get3A_337, %get3A_345 : vector<16xf32>
        %get3A_347 = arith.constant 1 : i32
        %get3A_348 = arith.constant 1 : i32
        %get3A_349 = arith.index_cast %get3A_347 : i32 to index
        %get3A_350 = arith.index_cast %get3A_348 : i32 to index
        %get3A_351 = arith.index_cast %add3A_252 : i32 to index
        %get3A_352 = arith.constant 48 : index
        %get3A_353 = tpu.vector_load %arg6[%get3A_349, %get3A_350, %get3A_351, %get3A_352] {strides = array<i32>} : memref<2x2x128x128xf32, #tpu.memory_space<vmem>>, vector<1x1x1x16xf32>,
        %get3A_354 = vector.shape_cast %get3A_353 : vector<1x1x1x16xf32> to vector<16xf32>
        %add3A_355 = arith.addf %add3A_346, %get3A_354 : vector<16xf32>
        %swap3A_356 = arith.index_cast %add3A_252 : i32 to index
        %swap3A_357 = arith.constant 48 : index
        %swap3A_358 = tpu.vector_load %arg7[%swap3A_356, %swap3A_357] {strides = array<i32>} : memref<128x64xf32, #tpu.memory_space<vmem>>, vector<1x16xf32>,
        %swap3A_359 = vector.shape_cast %swap3A_358 : vector<1x16xf32> to vector<16xf32>
        %swap3A_360 = vector.shape_cast %add3A_355 : vector<16xf32> to vector<1x16xf32>
        tpu.vector_store %arg7[%swap3A_356, %swap3A_357], %swap3A_360 {strides = array<i32>} : memref<128x64xf32, #tpu.memory_space<vmem>>, vector<1x16xf32>,
      }
      %scan3A_135 = arith.constant 128 : i32
    }
    %scan3A_37 = arith.constant 50 : i32
    %scan3A_38 = arith.constant 0 : i32
    %scan3A_39 = arith.constant 128 : i32
    %scan3A_40 = arith.addi %scan3A_38, %scan3A_39 : i32
    %scan3A_41 = arith.constant 1 : i32
    scf.for %scan3A_43 = %scan3A_38 to %scan3A_40 step %scan3A_41  : i32 {
      %mul3A_44 = arith.constant 1 : i32
      %mul3A_45 = arith.muli %scan3A_43, %mul3A_44 : i32
      %add3A_46 = arith.constant 0 : i32
      %add3A_47 = arith.addi %add3A_46, %mul3A_45 : i32
      %get3A = arith.index_cast %add3A_47 : i32 to index
      %get3A_48 = arith.constant 0 : index
      %get3A_49 = tpu.vector_load %arg7[%get3A, %get3A_48] {strides = array<i32>} : memref<128x64xf32, #tpu.memory_space<vmem>>, vector<1x16xf32>,
      %get3A_50 = vector.shape_cast %get3A_49 : vector<1x16xf32> to vector<16xf32>
      %mul3A_51 = arith.constant 5.000000e-03 : f32
      %mul3A_52 = vector.broadcast %mul3A_51 : f32 to vector<16xf32>
      %mul3A_53 = arith.mulf %get3A_50, %mul3A_52 : vector<16xf32>
      %swap3A = arith.index_cast %add3A_47 : i32 to index
      %swap3A_54 = arith.constant 0 : index
      %swap3A_55 = tpu.vector_load %arg7[%swap3A, %swap3A_54] {strides = array<i32>} : memref<128x64xf32, #tpu.memory_space<vmem>>, vector<1x16xf32>,
      %swap3A_56 = vector.shape_cast %swap3A_55 : vector<1x16xf32> to vector<16xf32>
      %swap3A_57 = vector.shape_cast %mul3A_53 : vector<16xf32> to vector<1x16xf32>
      tpu.vector_store %arg7[%swap3A, %swap3A_54], %swap3A_57 {strides = array<i32>} : memref<128x64xf32, #tpu.memory_space<vmem>>, vector<1x16xf32>,
      %get3A_58 = arith.index_cast %add3A_47 : i32 to index
      %get3A_59 = arith.constant 16 : index
      %get3A_60 = tpu.vector_load %arg7[%get3A_58, %get3A_59] {strides = array<i32>} : memref<128x64xf32, #tpu.memory_space<vmem>>, vector<1x16xf32>,
      %get3A_61 = vector.shape_cast %get3A_60 : vector<1x16xf32> to vector<16xf32>
      %mul3A_62 = arith.constant 5.000000e-03 : f32
      %mul3A_63 = vector.broadcast %mul3A_62 : f32 to vector<16xf32>
      %mul3A_64 = arith.mulf %get3A_61, %mul3A_63 : vector<16xf32>
      %swap3A_65 = arith.index_cast %add3A_47 : i32 to index
      %swap3A_66 = arith.constant 16 : index
      %swap3A_67 = tpu.vector_load %arg7[%swap3A_65, %swap3A_66] {strides = array<i32>} : memref<128x64xf32, #tpu.memory_space<vmem>>, vector<1x16xf32>,
      %swap3A_68 = vector.shape_cast %swap3A_67 : vector<1x16xf32> to vector<16xf32>
      %swap3A_69 = vector.shape_cast %mul3A_64 : vector<16xf32> to vector<1x16xf32>
      tpu.vector_store %arg7[%swap3A_65, %swap3A_66], %swap3A_69 {strides = array<i32>} : memref<128x64xf32, #tpu.memory_space<vmem>>, vector<1x16xf32>,
      %get3A_70 = arith.index_cast %add3A_47 : i32 to index
      %get3A_71 = arith.constant 32 : index
      %get3A_72 = tpu.vector_load %arg7[%get3A_70, %get3A_71] {strides = array<i32>} : memref<128x64xf32, #tpu.memory_space<vmem>>, vector<1x16xf32>,
      %get3A_73 = vector.shape_cast %get3A_72 : vector<1x16xf32> to vector<16xf32>
      %mul3A_74 = arith.constant 5.000000e-03 : f32
      %mul3A_75 = vector.broadcast %mul3A_74 : f32 to vector<16xf32>
      %mul3A_76 = arith.mulf %get3A_73, %mul3A_75 : vector<16xf32>
      %swap3A_77 = arith.index_cast %add3A_47 : i32 to index
      %swap3A_78 = arith.constant 32 : index
      %swap3A_79 = tpu.vector_load %arg7[%swap3A_77, %swap3A_78] {strides = array<i32>} : memref<128x64xf32, #tpu.memory_space<vmem>>, vector<1x16xf32>,
      %swap3A_80 = vector.shape_cast %swap3A_79 : vector<1x16xf32> to vector<16xf32>
      %swap3A_81 = vector.shape_cast %mul3A_76 : vector<16xf32> to vector<1x16xf32>
      tpu.vector_store %arg7[%swap3A_77, %swap3A_78], %swap3A_81 {strides = array<i32>} : memref<128x64xf32, #tpu.memory_space<vmem>>, vector<1x16xf32>,
      %get3A_82 = arith.index_cast %add3A_47 : i32 to index
      %get3A_83 = arith.constant 48 : index
      %get3A_84 = tpu.vector_load %arg7[%get3A_82, %get3A_83] {strides = array<i32>} : memref<128x64xf32, #tpu.memory_space<vmem>>, vector<1x16xf32>,
      %get3A_85 = vector.shape_cast %get3A_84 : vector<1x16xf32> to vector<16xf32>
      %mul3A_86 = arith.constant 5.000000e-03 : f32
      %mul3A_87 = vector.broadcast %mul3A_86 : f32 to vector<16xf32>
      %mul3A_88 = arith.mulf %get3A_85, %mul3A_87 : vector<16xf32>
      %swap3A_89 = arith.index_cast %add3A_47 : i32 to index
      %swap3A_90 = arith.constant 48 : index
      %swap3A_91 = tpu.vector_load %arg7[%swap3A_89, %swap3A_90] {strides = array<i32>} : memref<128x64xf32, #tpu.memory_space<vmem>>, vector<1x16xf32>,
      %swap3A_92 = vector.shape_cast %swap3A_91 : vector<1x16xf32> to vector<16xf32>
      %swap3A_93 = vector.shape_cast %mul3A_88 : vector<16xf32> to vector<1x16xf32>
      tpu.vector_store %arg7[%swap3A_89, %swap3A_90], %swap3A_93 {strides = array<i32>} : memref<128x64xf32, #tpu.memory_space<vmem>>, vector<1x16xf32>,
    }
    %scan3A_42 = arith.constant 128 : i32
    "tpu.region"() ({
      %run_scoped3A = tpu.sem_alloc : memref<!tpu.dma_semaphore, #tpu.memory_space<semaphore_mem>>
      %dma_start3A_43 = arith.constant 0 : i32
      %dma_start3A_44 = tpu.memref_slice %arg4[%mul3A_2, %dma_start3A_43] : memref<4096x64xf32, #tpu.memory_space<hbm>> -> memref<128x64xf32, #tpu.memory_space<hbm>>
      %dma_start3A_45 = arith.constant 0 : i32
      %dma_start3A_46 = tpu.memref_slice %arg4[%mul3A_2, %dma_start3A_45] : memref<4096x64xf32, #tpu.memory_space<hbm>> -> memref<128x64xf32, #tpu.memory_space<hbm>>
      tpu.enqueue_dma source(%arg7 : memref<128x64xf32, #tpu.memory_space<vmem>>) target(%dma_start3A_46 : memref<128x64xf32, #tpu.memory_space<hbm>>) target_semaphore(%run_scoped3A : memref<!tpu.dma_semaphore, #tpu.memory_space<semaphore_mem>>)
      %dma_wait3A = arith.constant 0 : i32
      %dma_wait3A_47 = tpu.memref_slice %arg4[%mul3A_2, %dma_wait3A] : memref<4096x64xf32, #tpu.memory_space<hbm>> -> memref<128x64xf32, #tpu.memory_space<hbm>>
      %dma_wait3A_48 = arith.constant 0 : i32
      %dma_wait3A_49 = tpu.memref_slice %arg4[%mul3A_2, %dma_wait3A_48] : memref<4096x64xf32, #tpu.memory_space<hbm>> -> memref<128x64xf32, #tpu.memory_space<hbm>>
      tpu.wait_dma2 semaphore(%run_scoped3A : memref<!tpu.dma_semaphore, #tpu.memory_space<semaphore_mem>>) src(%arg7 : memref<128x64xf32, #tpu.memory_space<vmem>>) dst(%dma_wait3A_49 : memref<128x64xf32, #tpu.memory_space<hbm>>)
      tpu.yield
    }) : () -> ()
    return
  }
}

</mosaic_0001>

<sc_bundles>
// kernel: _sc_pool.3.cloned.1.call-start
scs
__scs_entry_jumppad:
0x0: {  	(pc) =	sbr.rel $0x88, $3  }
0x1: {  	(tag) =	ssettag $0x0;
	lr =	simm.s32 $0x1  }
0x2: {  	[smem:$0x3F9F] =	sst lr;
	_ =	strace $0xD0000000  }
0x3: {  	_ = 	snop  }
0x4: {  	_ = 	snop  }
0x5: {  	_ = 	snop  }
0x6: {  	_ = 	snop  }
0x7: {  	_ = 	snop  }
__scs_overlays_trampoline_lowered:
0x8: {  	[smem:$0x3FAE] =	sst s0  }
0x9: {  	[smem:$0x3FAF] =	sst s1  }
0xa: {  	[smem:$0x3FB0] =	sst s2  }
0xb: {  	[smem:$0x3FB1] =	sst s3  }
0xc: {  	[smem:$0x3FB2] =	sst s4  }
0xd: {  	[smem:$0x3FB3] =	sst s5  }
0xe: {  	[smem:$0x3FB4] =	sst s6  }
0xf: {  	[smem:$0x3FB5] =	sst s7  }
0x10: {  	[smem:$0x3FB6] =	sst s8  }
0x11: {  	[smem:$0x3FB7] =	sst s9;
	s0 =	simm.s32 @!p0 $0x0  }
0x12: {  	s1 =	sld [smem:$0x3F9D];
	s0 =	simm.s32 @p0 $0x1  }
0x13: {  	[smem:$0x3FB8] =	sst s0;
	s0 =	simm.s32 @!p1 $0x0  }
0x14: {  	s2 =	sld [smem:$0x3F9C];
	s0 =	simm.s32 @p1 $0x1  }
0x15: {  	[smem:$0x3FB9] =	sst s0;
	s0 =	simm.s32 @!p2 $0x0  }
0x16: {  	s3 =	sld [smem:$0x3FDB];
	s0 =	simm.s32 @p2 $0x1  }
0x17: {  	s4 =	simm.s32 $0x1BF5;
	[smem:$0x3FBB] =	sst s0  }
0x18: {  	s0 =	sld [smem:$0x3F9E];
	_ =	swait.ge [sflag:s4], $0x0  }
0x19: {  	s7 =	sld [smem:$0x3F9F]  }
0x1a: {  	s8 =	sadd.s32 $0xFFFFE003, lr  }
0x1b: {  	s9 =	sadd.s32 $0xFFFFFEF7, lr;
	s5 =	simm.s32 $0xFFFFFFFF;
	p2 =	slt.u32 s8, $0xFFFFF086  }
0x1c: {  	p1 =	slt.u32 s9, $0xF7A;
	s5 =	simm.s32 @!p2 $0x0  }
0x1d: {  	s5 =	simm.s32 @p1 $0x1;
	p0 =	seq.s32 s7, s2  }
0x1e: {  	s7 =	smul.u32 @!p0 $0xF7A, s2;
	p2 =	seq.s32 @!p0 s5, $0x0  }
0x1f: {  	s9 =	smul.u32 $0xF7A, s1;
	s8 =	simm.s32 @!p0 $0x1BF5;
	p2 =	por !p2, p0  }
0x20: {  	[sflag:s8] =	ssyncset.s32 @!p0 $0xFFFFF086;
	s6 =	sadd.s32 @!p0 s3, s7;
	s7 =	simm.s32 @!p0 $0x108  }
0x21: {  	s3 =	sadd.s32 s3, s9;
	s6 =	sadd.s32 @!p0 $0x88, s6;
	s7 =	simm.s32 @p2 $0x1082  }
0x22: {  	[simem:s7], [sflag:s8] =	dma.local @!p0 [hbm:s6], $0xF7A  }
0x23: {  	s9 =	sor.u32 $0xD0000000, s2;
	s6 =	simm.s32 $0x108;
	_ =	swait.ge @!p0 [sflag:s8], $0x0  }
0x24: {  	s3 =	sadd.s32 $0x88, s3;
	s6 =	simm.s32 @!p1 $0x1082;
	[sflag:s4] =	ssyncset.s32 $0xFFFFF086  }
0x25: {  	[simem:s6], [sflag:s4] =	dma.local [hbm:s3], $0xF7A  }
0x26: {  	[smem:$0x3F9F] =	sst s1;
	(tag) =	ssettag s2;
	_ =	strace s9  }
0x27: {  	s1 =	sld [smem:$0x3FAF]  }
0x28: {  	s2 =	sld [smem:$0x3FB0]  }
0x29: {  	s4 =	sld [smem:$0x3FB2]  }
0x2a: {  	p0 =	seq.s32 s5, $0x0;
	s5 =	sld [smem:$0x3FB3]  }
0x2b: {  	s6 =	sld [smem:$0x3FB4]  }
0x2c: {  	s7 =	sld [smem:$0x3FB5]  }
0x2d: {  	s3 =	simm.s32 $0x108;
	s8 =	sld [smem:$0x3FB6]  }
0x2e: {  	s3 =	simm.s32 @!p0 $0x1082;
	s9 =	sld [smem:$0x3FB7]  }
0x2f: {  	lr =	sadd.s32 s0, s3;
	s0 =	sld [smem:$0x3FAE]  }
0x30: {  	s3 =	sld [smem:$0x3FB1]  }
0x31: {  	[smem:$0x3FBA] =	sst s10  }
0x32: {  	s10 =	sld [smem:$0x3FB8];
	_ =	sdelay $0x3  }
0x33: {  	p0 =	seq.s32 s10, $0x1;
	s10 =	sld [smem:$0x3FBA];
	_ =	sdelay $0x3  }
0x34: {  	[smem:$0x3FBA] =	sst s10  }
0x35: {  	s10 =	sld [smem:$0x3FB9];
	_ =	sdelay $0x3  }
0x36: {  	p1 =	seq.s32 s10, $0x1;
	s10 =	sld [smem:$0x3FBA];
	_ =	sdelay $0x3  }
0x37: {  	[smem:$0x3FBA] =	sst s10  }
0x38: {  	s10 =	sld [smem:$0x3FBB]  }
0x39: {  	_ = 	snop;
	(pc) =	sbr.ind lr, $3  }
0x3a: {  	_ = 	snop  }
0x3b: {  	_ = 	snop  }
0x3c: {  	p2 =	seq.s32 s10, $0x1;
	s10 =	sld [smem:$0x3FBA]  }
0x3d: {  	_ =	shalt  }
0x3e: {  	_ =	shalt  }
0x3f: {  	_ =	shalt  }
0x40: {  	_ =	shalt  }
0x41: {  	_ =	shalt  }
0x42: {  	_ =	shalt  }
0x43: {  	_ =	shalt  }
0x44: {  	_ =	shalt  }
0x45: {  	_ =	shalt  }
0x46: {  	_ =	shalt  }
0x47: {  	_ =	shalt  }
0x48: {  	_ =	shalt  }
0x49: {  	_ =	shalt  }
0x4a: {  	_ =	shalt  }
0x4b: {  	_ =	shalt  }
0x4c: {  	_ =	shalt  }
0x4d: {  	_ =	shalt  }
0x4e: {  	_ =	shalt  }
0x4f: {  	_ =	shalt  }
0x50: {  	_ =	shalt  }
0x51: {  	_ =	shalt  }
0x52: {  	_ =	shalt  }
0x53: {  	_ =	shalt  }
0x54: {  	_ =	shalt  }
0x55: {  	_ =	shalt  }
0x56: {  	_ =	shalt  }
0x57: {  	_ =	shalt  }
0x58: {  	_ =	shalt  }
0x59: {  	_ =	shalt  }
0x5a: {  	_ =	shalt  }
0x5b: {  	_ =	shalt  }
0x5c: {  	_ =	shalt  }
0x5d: {  	_ =	shalt  }
0x5e: {  	_ =	shalt  }
0x5f: {  	_ =	shalt  }
0x60: {  	_ =	shalt  }
0x61: {  	_ =	shalt  }
0x62: {  	_ =	shalt  }
0x63: {  	_ =	shalt  }
0x64: {  	_ =	shalt  }
0x65: {  	_ =	shalt  }
0x66: {  	_ =	shalt  }
0x67: {  	_ =	shalt  }
0x68: {  	_ =	shalt  }
0x69: {  	_ =	shalt  }
0x6a: {  	_ =	shalt  }
0x6b: {  	_ =	shalt  }
0x6c: {  	_ =	shalt  }
0x6d: {  	_ =	shalt  }
0x6e: {  	_ =	shalt  }
0x6f: {  	_ =	shalt  }
0x70: {  	_ =	shalt  }
0x71: {  	_ =	shalt  }
0x72: {  	_ =	shalt  }
0x73: {  	_ =	shalt  }
0x74: {  	_ =	shalt  }
0x75: {  	_ =	shalt  }
0x76: {  	_ =	shalt  }
0x77: {  	_ =	shalt  }
0x78: {  	_ =	shalt  }
0x79: {  	_ =	shalt  }
0x7a: {  	_ =	shalt  }
0x7b: {  	_ =	shalt  }
0x7c: {  	_ =	shalt  }
0x7d: {  	_ =	shalt  }
0x7e: {  	_ =	shalt  }
0x7f: {  	_ =	shalt  }
0x80: {  	_ =	shalt  }
0x81: {  	_ =	shalt  }
0x82: {  	_ =	shalt  }
0x83: {  	_ =	shalt  }
0x84: {  	_ =	shalt  }
0x85: {  	_ =	shalt  }
0x86: {  	_ =	shalt  }
0x87: {  	_ =	shalt  }
.Lfunc_end0:
.L_simem_size_0:
called_computation_lowered:
.L_overlay_start_0:
0x88: {  	s2 =	sld [smem:$0x3FD9]  }
0x89: {  	s3 =	sld [smem:$0x3FFE];
	_ =	sdelay $0x1  }
0x8a: {  	s1 =	srdreg.scid  }
0x8b: {  	s0 =	sand.u32 $0x1, s1  }
0x8c: {  	s17 =	sshll.u32 s0, $0xA;
	s2 =	sadd.s32 s3, s2  }
0x8d: {  	s2 =	sadd.s32 s2, s17  }
0x8e: {  	[smem:$0x3FC6] =	sst s2  }
0x8f: {  	_ = 	snop  }
0x90: {  	s2 =	sld [smem:$0x3FC9]  }
0x91: {  	s18 =	sld [smem:$0x3FC8];
	(tm) =	ssettm $0x1  }
0x92: {  	s4 =	sld [smem:$0x3FFB];
	_ =	sdelay $0x3  }
0x93: {  	_ =	strace s4  }
0x94: {  	s4 =	sld [smem:$0x3FFC];
	_ =	sdelay $0x3  }
0x95: {  	_ =	strace s4  }
0x96: {  	s4 =	sld [smem:$0x3FFD];
	_ =	sdelay $0x3  }
0x97: {  	_ =	strace s4  }
0x98: {  	_ =	strace $0x8FFFFFFF  }
0x99: {  	s19 =	sld [smem:$0x3FDB];
	_ =	sdelay $0x1  }
0x9a: {  	s5 =	simm.s32 $_scs_section_size  }
0x9b: {  	s6 =	simm.s32 $_size__tile_overlayer_lowered;
	s7 =	simm.s32 $_tile_overlayer_lowered  }
0x9c: {  	s22 =	simm.s32 $0x1BFF;
	s21 =	sshll.u32 s7, $0x1;
	s4 =	sadd.s32 s5, s19  }
0x9d: {  	s8 =	simm.s32 $0x0;
	s20 =	sshll.u32 s6, $0x1;
	s6 =	sadd.s32 s21, s4  }
0x9e: {  	[timem:s8], [sflag:s22] =	dma.local [hbm:s6], s20  }
0x9f: {  	_ =	swait.ge [sflag:s22], s20  }
0xa0: {  	s5 =	ssub.s32 $0x0, s20;
	[sflag:s22] =	ssyncset.done $0x0  }
0xa1: {  	[sflag:s22] =	ssyncadd.s32 s5;
	_ =	sdelay $0x1  }
0xa2: {  	s23 =	simm.s32 $0x1B8B  }
0xa3: {  	_ =	swait.ge [sflag:s23], $0x1  }
0xa4: {  	[sflag:s23] =	ssyncset.done $0x0  }
0xa5: {  	s25 =	simm.s32 $0x1B8E;
	s24 =	sld [smem:$0x3FFE];
	[sflag:s23] =	ssyncadd.s32 $0xFFFFFFFF  }
0xa6: {  	s26 =	simm.s32 $execute0_lowered;
	[smem:$0x3FD2] =	sst s25  }
0xa7: {  	s6 =	sshll.u32 s26, $0x1;
	_ =	strace $0x80000046;
	[dreg:$0x1] =	wrdreg $0xFFFFFFFF  }
0xa8: {  	s28 =	simm.s32 $_size_execute0_lowered;
	s4 =	sadd.s32 s4, s6;
	[dreg:$0x0] =	wrdreg $0x0  }
0xa9: {  	s6 =	sshll.u32 s28, $0x1;
	[dreg:$0x2] =	wrdreg s4  }
0xaa: {  	[dreg:$0x3] =	wrdreg s6  }
0xab: {  	[dreg:$0x4] =	wrdreg $0xC0  }
0xac: {  	_ =	task [dreg:s8], $0x5FFFF  }
0xad: {  	[dreg:$0x1] =	wrdreg $0xFFFFFFFF  }
0xae: {  	[dreg:$0x0] =	wrdreg $0x60  }
0xaf: {  	[dreg:$0x2] =	wrdreg s2  }
0xb0: {  	[dreg:$0x3] =	wrdreg s18  }
0xb1: {  	[dreg:$0x4] =	wrdreg s24  }
0xb2: {  	[dreg:$0x5] =	wrdreg $0x9  }
0xb3: {  	_ =	task.clear_ibuf [dreg:s8], $0x6FFFF;
	_ =	strace $0x90000046  }
0xb4: {  	s29 =	simm.s32 $0x9;
	_ =	strace $0x80000048  }
0xb5: {  	_ =	swait.ge [sflag:s29], $0x1  }
0xb6: {  	[sflag:s29] =	ssyncadd.s32 $0xFFFFFFFF  }
0xb7: {  	_ =	strace $0x90000048  }
0xb8: {  	_ =	sfence  }
0xb9: {  	s30 =	sld [smem:$0x0];
	_ =	sdelay $0x2  }
0xba: {  	s31 =	sshll.u32 s1, $0xD;
	s1 =	sshrl.u32 s1, $0x2  }
0xbb: {  	s3 =	sand.u32 $0x4000, s31;
	s1 =	sadd.s32 s1, s30  }
0xbc: {  	s0 =	sor.u32 s3, s0;
	s1 =	sshll.u32 s1, $0x11  }
0xbd: {  	s0 =	sor.u32 s1, s0  }
0xbe: {  	s0 =	sadd.s32 $0x8F2B, s0  }
0xbf: {  	[sflag:s0] =	ssyncadd.remote.s32 $0x1  }
0xc0: {  	_ =	sfence.sel $0xFFFF  }
0xc1: {  	[dreg:$0x0] =	wrdreg $0xFFFFFFFF;
	(pc) =	sbr.abs _section_cstart, $3  }
0xc2: {  	[dreg:$0x1] =	wrdreg $0xFFFFFFFF  }
0xc3: {  	_ =	task.clear_ibuf [dreg:s8], $0x2FFFF;
	_ =	strace $0x9FFFFFFF  }
0xc4: {  	(tm) =	ssettm $0x7FFFFFFF  }
0xc5: {  	_ =	shalt  }
tec
execute0_lowered:
.L_overlay_start_1:
0x0: {  	(tag) =	ssettag $0x1  }
0x1: {  	s2 =	rddreg [dreg:$0x0]  }
0x2: {  	s4 =	rddreg [dreg:$0x1];
	s0 =	srdreg.scid  }
0x3: {  	s5 =	rddreg [dreg:$0x2];
	s1 =	stileid.u32;
	s3 =	simm.s32 $0x0  }
0x4: {  	s10 =	simm.s32 $0x80;
	s11 =	simm.s32 $0x6400;
	s12 =	simm.s32 $0xA400  }
0x5: {  	s13 =	simm.s32 $0xE400;
	s14 =	simm.s32 $0x12400;
	s15 =	simm.s32 $0x1  }
0x6: {  	s16 =	simm.s32 $0x2;
	s17 =	simm.s32 $0x16400;
	s18 =	simm.s32 $0x0  }
0x7: {  	s6 =	sand.u32 $0x1, s0;
	s0 =	rddreg [dreg:$0x3];
	s7 =	sshll.u32 s1, $0x8  }
0x8: {  	[smem:$0x7FF] =	sst s3;
	s8 =	sshll.u32 s6, $0x7;
	s6 =	ssub.s32 $0x2, s6  }
0x9: {  	_ =	strace $0x80000047;
	s7 =	sor.u32 s8, s7;
	s9 =	sshrl.u32 s6, $0x1  }
0xa: {  	s8 =	sshll.u32 s7, $0x4;
	s6 =	ssub.s32 s6, s9;
	s4 =	sadd.s32 s4, s7  }
0xb: {  	s7 =	simm.s32 $0x400;
	s9 =	simm.s32 $0x3;
	s5 =	sadd.s32 s8, s5  }
0xc: {  	v0 =	vimm.f32 $0.0e+00;
	s6 =	smax.u32 s6, $0x1;
	s8 =	simm.s32 $0x8000;
	s5 =	sadd.s32 $0x400, s5  }
.LBB2_1:
0xd: {  	[tilespmem:s3], [sflag:$0x3] =	stream.strided.gather [hbm4b:s4+s7], $0x6400, s8, s7, $0x38;
	[tilespmem:$0x1A400] =	vst v63  }
0xe: {  	_ =	swait.ge [sflag:s9], $0x6400  }
0xf: {  	[sflag:s9] =	ssyncset.done $0x0  }
0x10: {  	s20 =	simm.s32 $0x200;
	s19 =	simm.s32 $0x0;
	[sflag:s9] =	ssyncadd.s32 $0xFFFF9C00  }
.LBB2_2:
0x11: {  	p0 =	sne.s32 s20, $0xFE00;
	[tilespmem:s19+$0x16430] =	vst v0;
	s21 =	smov.u32 s20;
	s20 =	sadd.s32 $0x200, s20  }
.Ltmp0:
0x12: {  	[tilespmem:s19+$0x16420] =	vst v0;
	(pc) =	sbr.rel @p0 .LBB2_2-.Ltmp0, $3  }
0x13: {  	[tilespmem:s19+$0x16400] =	vst v0  }
0x14: {  	[tilespmem:s19+$0x16410] =	vst v0;
	_ =	sdelay $0x1  }
0x15: {  	s19 =	sshra.s32 s21, $0x2  }
0x16: {  	[tilespmem:s19+$0x16430] =	vst v0  }
0x17: {  	[tilespmem:s19+$0x16420] =	vst v0  }
0x18: {  	[tilespmem:s19+$0x16400] =	vst v0  }
0x19: {  	[tilespmem:s19+$0x16410] =	vst v0;
	s19 =	simm.s32 $0x0  }
0x1a: {  	[tilespmem:s11], [sflag:$0x1] =	stream.indirect.gather [hbm4b:s2+s10], $0x80, s19, s10, $0xb8;
	[tilespmem:$0x1A400] =	vst v63  }
0x1b: {  	_ = 	snop  }
0x1c: {  	[tilespmem:s12], [sflag:$0x1] =	stream.indirect.gather [hbm4b:s2+s10], $0x80, s10, s10, $0xb8;
	[tilespmem:$0x1A400] =	vst v63  }
.LBB2_4:
0x1d: {  	s20 =	sshll.u32 s19, $0x9  }
0x1e: {  	s20 =	sand.u32 $0x3FFFFE00, s20  }
0x1f: {  	s21 =	sor.u32 $0x100, s20  }
0x20: {  	[tilespmem:s13], [sflag:$0x2] =	stream.indirect.gather [hbm4b:s2+s10], $0x80, s21, s10, $0xb8;
	[tilespmem:$0x1A400] =	vst v63  }
0x21: {  	s31 =	sor.u32 $0x180, s20  }
0x22: {  	[tilespmem:s14], [sflag:$0x2] =	stream.indirect.gather [hbm4b:s2+s10], $0x80, s31, s10, $0xb8;
	[tilespmem:$0x1A400] =	vst v63  }
0x23: {  	_ =	swait.ge [sflag:s15], $0x4000  }
0x24: {  	[sflag:s15] =	ssyncset.done $0x0  }
0x25: {  	[sflag:s15] =	ssyncadd.s32 $0xFFFFC000  }
0x26: {  	_ =	swait.ge [sflag:s15], $0x4000  }
0x27: {  	[sflag:s15] =	ssyncset.done $0x0  }
0x28: {  	s21 =	simm.s32 $0x0;
	[sflag:s15] =	ssyncadd.s32 $0xFFFFC000  }
0x29: {  	v10 =	vld [tilespmem:s21+$0xA400]  }
0x2a: {  	v12 =	vld [tilespmem:s21+$0xA410]  }
0x2b: {  	v4 =	vld [tilespmem:s21+$0xA420]  }
0x2c: {  	v3 =	vld [tilespmem:s21+$0xA430]  }
0x2d: {  	v2 =	vld [tilespmem:s21+$0xA480]  }
0x2e: {  	v1 =	vld [tilespmem:s21+$0xA490]  }
0x2f: {  	v9 =	vld [tilespmem:s21+$0x6400]  }
0x30: {  	v14 =	vld [tilespmem:s21+$0x6410]  }
0x31: {  	v15 =	vld [tilespmem:s21+$0x6420]  }
0x32: {  	v18 =	vld [tilespmem:s21+$0x6430]  }
0x33: {  	v8 =	vld [tilespmem:s21+$0x6480]  }
0x34: {  	v7 =	vld [tilespmem:s21+$0x6490]  }
0x35: {  	v6 =	vld [tilespmem:s21+$0x64A0]  }
0x36: {  	v5 =	vld [tilespmem:s21+$0x64B0]  }
0x37: {  	v11 =	vld [tilespmem:s21+$0x16400]  }
0x38: {  	v16 =	vld [tilespmem:s21+$0x16410]  }
0x39: {  	v17 =	vld [tilespmem:s21+$0x16420]  }
0x3a: {  	v19 =	vld [tilespmem:s21+$0x16430]  }
0x3b: {  	v13 =	vld [tilespmem:s21+$0x16480]  }
0x3c: {  	v20 =	vadd.f32 v9, v11;
	v11 =	vld [tilespmem:s21+$0x16490]  }
0x3d: {  	v14 =	vadd.f32 v14, v16;
	v9 =	vld [tilespmem:s21+$0x164A0]  }
0x3e: {  	v17 =	vadd.f32 v15, v17;
	v16 =	vadd.f32 v10, v20;
	v10 =	vld [tilespmem:s21+$0x164B0]  }
0x3f: {  	s22 =	simm.s32 $0x0;
	s23 =	simm.s32 $0x400;
	v15 =	vadd.f32 v18, v19;
	v14 =	vadd.f32 v12, v14;
	v12 =	vld [tilespmem:s21+$0xA4A0]  }
.LBB2_5:
0x40: {  	s24 =	sshra.s32 s23, $0x2;
	[tilespmem:s21+$0x16400] =	vst v16;
	v4 =	vadd.f32 v4, v17;
	v8 =	vadd.f32 v8, v13;
	v13 =	vld [tilespmem:s21+$0xA4B0]  }
0x41: {  	v16 =	vld [tilespmem:s24+$0xA400];
	[tilespmem:s21+$0x16410] =	vst v14;
	v3 =	vadd.f32 v3, v15;
	v7 =	vadd.f32 v7, v11  }
0x42: {  	v14 =	vld [tilespmem:s24+$0xA410];
	[tilespmem:s21+$0x16420] =	vst v4;
	v2 =	vadd.f32 v2, v8;
	v6 =	vadd.f32 v6, v9  }
0x43: {  	v4 =	vld [tilespmem:s24+$0xA420];
	[tilespmem:s21+$0x16430] =	vst v3;
	v1 =	vadd.f32 v1, v7;
	v5 =	vadd.f32 v5, v10  }
0x44: {  	v3 =	vld [tilespmem:s24+$0xA430];
	[tilespmem:s21+$0x16480] =	vst v2;
	v6 =	vadd.f32 v12, v6  }
0x45: {  	v2 =	vld [tilespmem:s24+$0xA480];
	[tilespmem:s21+$0x16490] =	vst v1;
	v5 =	vadd.f32 v13, v5  }
0x46: {  	v1 =	vld [tilespmem:s24+$0xA490];
	[tilespmem:s21+$0x164A0] =	vst v6  }
0x47: {  	v9 =	vld [tilespmem:s24+$0x6400];
	[tilespmem:s21+$0x164B0] =	vst v5;
	s21 =	smov.u32 s24  }
0x48: {  	v10 =	vld [tilespmem:s21+$0x6410]  }
0x49: {  	v12 =	vld [tilespmem:s21+$0x6420]  }
0x4a: {  	v15 =	vld [tilespmem:s21+$0x6430]  }
0x4b: {  	v8 =	vld [tilespmem:s21+$0x6480]  }
0x4c: {  	v7 =	vld [tilespmem:s21+$0x6490]  }
0x4d: {  	v6 =	vld [tilespmem:s21+$0x64A0]  }
0x4e: {  	v5 =	vld [tilespmem:s21+$0x64B0]  }
0x4f: {  	v11 =	vld [tilespmem:s21+$0x16400]  }
0x50: {  	v17 =	vld [tilespmem:s21+$0x16410]  }
0x51: {  	s22 =	sadd.s32 $0x2, s22;
	v18 =	vld [tilespmem:s21+$0x16420]  }
0x52: {  	p0 =	slt.u32 s22, $0x7E;
	v19 =	vld [tilespmem:s21+$0x16430]  }
.Ltmp1:
0x53: {  	v13 =	vld [tilespmem:s21+$0x16480];
	(pc) =	sbr.rel @p0 .LBB2_5-.Ltmp1, $4  }
0x54: {  	v20 =	vadd.f32 v9, v11;
	v11 =	vld [tilespmem:s21+$0x16490]  }
0x55: {  	v21 =	vadd.f32 v10, v17;
	v9 =	vld [tilespmem:s21+$0x164A0]  }
0x56: {  	v16 =	vadd.f32 v16, v20;
	v17 =	vadd.f32 v12, v18;
	v10 =	vld [tilespmem:s21+$0x164B0]  }
0x57: {  	s23 =	sadd.s32 $0x400, s23;
	v14 =	vadd.f32 v14, v21;
	v15 =	vadd.f32 v15, v19;
	v12 =	vld [tilespmem:s21+$0xA4A0]  }
0x58: {  	[tilespmem:s21+$0x16400] =	vst v16;
	v4 =	vadd.f32 v4, v17;
	v8 =	vadd.f32 v8, v13;
	v13 =	vld [tilespmem:s21+$0xA4B0]  }
0x59: {  	[tilespmem:s21+$0x16410] =	vst v14;
	v3 =	vadd.f32 v3, v15;
	v7 =	vadd.f32 v7, v11  }
0x5a: {  	[tilespmem:s21+$0x16420] =	vst v4;
	v2 =	vadd.f32 v2, v8;
	v4 =	vadd.f32 v6, v9  }
0x5b: {  	[tilespmem:s21+$0x16430] =	vst v3;
	v1 =	vadd.f32 v1, v7;
	v3 =	vadd.f32 v5, v10  }
0x5c: {  	[tilespmem:s21+$0x16480] =	vst v2;
	v2 =	vadd.f32 v12, v4  }
0x5d: {  	[tilespmem:s21+$0x16490] =	vst v1;
	v1 =	vadd.f32 v13, v3  }
0x5e: {  	p0 =	seq.s32 s19, $0x31;
	[tilespmem:s21+$0x164A0] =	vst v2  }
0x5f: {  	s22 =	simm.s32 @!p0 $0x80;
	s23 =	simm.s32 @!p0 $0x6400;
	[tilespmem:s21+$0x164B0] =	vst v1;
	s21 =	sadd.s32 @!p0 $0x200, s20  }
0x60: {  	[tilespmem:s23], [sflag:$0x1] =	stream.indirect.gather @!p0 [hbm4b:s2+s22], $0x80, s21, s22, $0xb8;
	[tilespmem:$0x1A400] =	vst v63  }
0x61: {  	s20 =	sadd.s32 @!p0 $0x280, s20;
	s21 =	simm.s32 @!p0 $0xA400  }
0x62: {  	[tilespmem:s21], [sflag:$0x1] =	stream.indirect.gather @!p0 [hbm4b:s2+s22], $0x80, s20, s22, $0xb8;
	[tilespmem:$0x1A400] =	vst v63  }
0x63: {  	_ =	swait.ge [sflag:s16], $0x4000  }
0x64: {  	[sflag:s16] =	ssyncset.done $0x0  }
0x65: {  	[sflag:s16] =	ssyncadd.s32 $0xFFFFC000  }
0x66: {  	_ =	swait.ge [sflag:s16], $0x4000  }
0x67: {  	[sflag:s16] =	ssyncset.done $0x0  }
0x68: {  	s20 =	simm.s32 $0x0;
	[sflag:s16] =	ssyncadd.s32 $0xFFFFC000  }
0x69: {  	v10 =	vld [tilespmem:s20+$0x12400]  }
0x6a: {  	v12 =	vld [tilespmem:s20+$0x12410]  }
0x6b: {  	v4 =	vld [tilespmem:s20+$0x12420]  }
0x6c: {  	v3 =	vld [tilespmem:s20+$0x12430]  }
0x6d: {  	v2 =	vld [tilespmem:s20+$0x12480]  }
0x6e: {  	v1 =	vld [tilespmem:s20+$0x12490]  }
0x6f: {  	v9 =	vld [tilespmem:s20+$0xE400]  }
0x70: {  	v14 =	vld [tilespmem:s20+$0xE410]  }
0x71: {  	v15 =	vld [tilespmem:s20+$0xE420]  }
0x72: {  	v18 =	vld [tilespmem:s20+$0xE430]  }
0x73: {  	v8 =	vld [tilespmem:s20+$0xE480]  }
0x74: {  	v7 =	vld [tilespmem:s20+$0xE490]  }
0x75: {  	v6 =	vld [tilespmem:s20+$0xE4A0]  }
0x76: {  	v5 =	vld [tilespmem:s20+$0xE4B0]  }
0x77: {  	v11 =	vld [tilespmem:s20+$0x16400]  }
0x78: {  	v16 =	vld [tilespmem:s20+$0x16410]  }
0x79: {  	v17 =	vld [tilespmem:s20+$0x16420]  }
0x7a: {  	v19 =	vld [tilespmem:s20+$0x16430]  }
0x7b: {  	v13 =	vld [tilespmem:s20+$0x16480]  }
0x7c: {  	v20 =	vadd.f32 v9, v11;
	v11 =	vld [tilespmem:s20+$0x16490]  }
0x7d: {  	v14 =	vadd.f32 v14, v16;
	v9 =	vld [tilespmem:s20+$0x164A0]  }
0x7e: {  	v17 =	vadd.f32 v15, v17;
	v16 =	vadd.f32 v10, v20;
	v10 =	vld [tilespmem:s20+$0x164B0]  }
0x7f: {  	s21 =	simm.s32 $0x0;
	s22 =	simm.s32 $0x400;
	v15 =	vadd.f32 v18, v19;
	v14 =	vadd.f32 v12, v14;
	v12 =	vld [tilespmem:s20+$0x124A0]  }
.LBB2_7:
0x80: {  	s23 =	sshra.s32 s22, $0x2;
	[tilespmem:s20+$0x16400] =	vst v16;
	v4 =	vadd.f32 v4, v17;
	v8 =	vadd.f32 v8, v13;
	v13 =	vld [tilespmem:s20+$0x124B0]  }
0x81: {  	v16 =	vld [tilespmem:s23+$0x12400];
	[tilespmem:s20+$0x16410] =	vst v14;
	v3 =	vadd.f32 v3, v15;
	v7 =	vadd.f32 v7, v11  }
0x82: {  	v14 =	vld [tilespmem:s23+$0x12410];
	[tilespmem:s20+$0x16420] =	vst v4;
	v2 =	vadd.f32 v2, v8;
	v6 =	vadd.f32 v6, v9  }
0x83: {  	v4 =	vld [tilespmem:s23+$0x12420];
	[tilespmem:s20+$0x16430] =	vst v3;
	v1 =	vadd.f32 v1, v7;
	v5 =	vadd.f32 v5, v10  }
0x84: {  	v3 =	vld [tilespmem:s23+$0x12430];
	[tilespmem:s20+$0x16480] =	vst v2;
	v6 =	vadd.f32 v12, v6  }
0x85: {  	v2 =	vld [tilespmem:s23+$0x12480];
	[tilespmem:s20+$0x16490] =	vst v1;
	v5 =	vadd.f32 v13, v5  }
0x86: {  	v1 =	vld [tilespmem:s23+$0x12490];
	[tilespmem:s20+$0x164A0] =	vst v6  }
0x87: {  	v9 =	vld [tilespmem:s23+$0xE400];
	[tilespmem:s20+$0x164B0] =	vst v5;
	s20 =	smov.u32 s23  }
0x88: {  	v10 =	vld [tilespmem:s20+$0xE410]  }
0x89: {  	v12 =	vld [tilespmem:s20+$0xE420]  }
0x8a: {  	v15 =	vld [tilespmem:s20+$0xE430]  }
0x8b: {  	v8 =	vld [tilespmem:s20+$0xE480]  }
0x8c: {  	v7 =	vld [tilespmem:s20+$0xE490]  }
0x8d: {  	v6 =	vld [tilespmem:s20+$0xE4A0]  }
0x8e: {  	v5 =	vld [tilespmem:s20+$0xE4B0]  }
0x8f: {  	v11 =	vld [tilespmem:s20+$0x16400]  }
0x90: {  	v17 =	vld [tilespmem:s20+$0x16410]  }
0x91: {  	s21 =	sadd.s32 $0x2, s21;
	v18 =	vld [tilespmem:s20+$0x16420]  }
0x92: {  	p0 =	slt.u32 s21, $0x7E;
	v19 =	vld [tilespmem:s20+$0x16430]  }
.Ltmp2:
0x93: {  	v13 =	vld [tilespmem:s20+$0x16480];
	(pc) =	sbr.rel @p0 .LBB2_7-.Ltmp2, $4  }
0x94: {  	v20 =	vadd.f32 v9, v11;
	v11 =	vld [tilespmem:s20+$0x16490]  }
0x95: {  	v21 =	vadd.f32 v10, v17;
	v9 =	vld [tilespmem:s20+$0x164A0]  }
0x96: {  	v16 =	vadd.f32 v16, v20;
	v17 =	vadd.f32 v12, v18;
	v10 =	vld [tilespmem:s20+$0x164B0]  }
0x97: {  	s22 =	sadd.s32 $0x400, s22;
	v14 =	vadd.f32 v14, v21;
	v15 =	vadd.f32 v15, v19;
	v12 =	vld [tilespmem:s20+$0x124A0]  }
0x98: {  	[tilespmem:s20+$0x16400] =	vst v16;
	v4 =	vadd.f32 v4, v17;
	v8 =	vadd.f32 v8, v13;
	v62 =	vld [tilespmem:s20+$0x124B0]  }
0x99: {  	s19 =	sadd.s32 $0x1, s19;
	[tilespmem:s20+$0x16410] =	vst v14;
	v3 =	vadd.f32 v3, v15;
	v7 =	vadd.f32 v7, v11  }
0x9a: {  	p0 =	sne.s32 s19, $0x32;
	[tilespmem:s20+$0x16420] =	vst v4;
	v2 =	vadd.f32 v2, v8;
	v63 =	vadd.f32 v6, v9  }
.Ltmp3:
0x9b: {  	[tilespmem:s20+$0x16430] =	vst v3;
	v1 =	vadd.f32 v1, v7;
	v3 =	vadd.f32 v5, v10;
	(pc) =	sbr.rel @p0 .LBB2_4-.Ltmp3, $4  }
0x9c: {  	[tilespmem:s20+$0x16480] =	vst v2;
	v2 =	vadd.f32 v12, v63  }
0x9d: {  	[tilespmem:s20+$0x16490] =	vst v1;
	v1 =	vadd.f32 v62, v3  }
0x9e: {  	[tilespmem:s20+$0x164A0] =	vst v2  }
0x9f: {  	[tilespmem:s20+$0x164B0] =	vst v1  }
0xa0: {  	s19 =	simm.s32 $0x0  }
0xa1: {  	v1 =	vld [tilespmem:s19+$0x16400]  }
0xa2: {  	v3 =	vld [tilespmem:s19+$0x16410]  }
0xa3: {  	s20 =	simm.s32 $0x200;
	v2 =	vld [tilespmem:s19+$0x16420]  }
.LBB2_10:
0xa4: {  	p0 =	sne.s32 s20, $0xFE00;
	v4 =	vld [tilespmem:s19+$0x16430];
	_ =	sdelay $0x1  }
0xa5: {  	v1 =	vmul.f32 $4.999999890e-03, v1  }
.Ltmp4:
0xa6: {  	v3 =	vmul.f32 $4.999999890e-03, v3;
	(pc) =	sbr.rel @p0 .LBB2_10-.Ltmp4, $4  }
0xa7: {  	s21 =	sshra.s32 s20, $0x2;
	[tilespmem:s19+$0x16400] =	vst v1;
	v2 =	vmul.f32 $4.999999890e-03, v2  }
0xa8: {  	v1 =	vld [tilespmem:s21+$0x16400];
	[tilespmem:s19+$0x16410] =	vst v3;
	v4 =	vmul.f32 $4.999999890e-03, v4  }
0xa9: {  	v3 =	vld [tilespmem:s21+$0x16410];
	[tilespmem:s19+$0x16420] =	vst v2  }
0xaa: {  	s20 =	sadd.s32 $0x200, s20;
	v2 =	vld [tilespmem:s21+$0x16420];
	[tilespmem:s19+$0x16430] =	vst v4;
	s19 =	smov.u32 s21  }
0xab: {  	v4 =	vld [tilespmem:s19+$0x16430];
	_ =	sdelay $0x1  }
0xac: {  	v1 =	vmul.f32 $4.999999890e-03, v1  }
0xad: {  	v3 =	vmul.f32 $4.999999890e-03, v3  }
0xae: {  	[tilespmem:s19+$0x16400] =	vst v1;
	v1 =	vmul.f32 $4.999999890e-03, v2  }
0xaf: {  	s18 =	sadd.s32 $0x1, s18;
	[tilespmem:s19+$0x16410] =	vst v3;
	v2 =	vmul.f32 $4.999999890e-03, v4  }
0xb0: {  	p0 =	sne.s32 s18, s6;
	[tilespmem:s19+$0x16420] =	vst v1  }
.Ltmp5:
0xb1: {  	[tilespmem:s19+$0x16430] =	vst v2;
	(pc) =	sbr.rel @p0 .LBB2_1-.Ltmp5, $4  }
0xb2: {  	[hbm4b:s5+s3] =	stream.linear.scatter [tilespmem:s17], [sflag:$0x3], $0x4000, $0x38;
	[tilespmem:$0x1A400] =	vst v63  }
0xb3: {  	_ =	swait.ge [sflag:s9], $0x4000  }
0xb4: {  	[sflag:s9] =	ssyncset.done $0x0  }
0xb5: {  	[sflag:s9] =	ssyncadd.s32 $0xFFFFC000  }
0xb6: {  	_ =	sfence.sel $0x180000  }
0xb7: {  	[bflag:$0x0] =	sbarrier.arrive $0xFFFF  }
0xb8: {  	p0 =	sne.s32 s1, $0x0;
	_ =	strace $0x90000047  }
0xb9: {  	s0 =	sadd.s32 @!p0 $0x100000, s0;
	[bflag:$0x2] =	sbarrier.arrive $0xFFFF  }
0xba: {  	[sflag:s0] =	ssyncadd.tile.s32 @!p0 $0x1;
	_ =	shalt  }
.Lfunc_end2:
_tile_overlayer_lowered:
.L_overlay_start_2:
0xbb: {  	(tag) =	ssettag $0x2  }
0xbc: {  	s0 =	rddreg [dreg:$0x0];
	s2 =	stileid.u32  }
0xbd: {  	s1 =	rddreg [dreg:$0x1];
	p0 =	sne.s32 s2, $0x0  }
0xbe: {  	s3 =	rddreg [dreg:$0x2];
	[bflag:$0x3] =	sbarrier.arrive $0xFFFF;
	s2 =	simm.s32 @!p0 $0x1C03  }
0xbf: {  	[timem:s3], [sflag:s2] =	dma.local @!p0 [hbm:s0], s1  }
0xc0: {  	s0 =	simm.s32 @!p0 $0x3  }
0xc1: {  	_ =	swait.ge @!p0 [sflag:s0], s1  }
0xc2: {  	s1 =	ssub.s32 @!p0 $0x0, s1;
	[sflag:s0] =	ssyncset.done @!p0 $0x0  }
0xc3: {  	[sflag:s0] =	ssyncadd.s32 @!p0 s1  }
0xc4: {  	[bflag:$0x3] =	sbarrier.arrive $0xFFFF  }
0xc5: {  	_ =	shalt  }

</sc_bundles>
